<compile_context>
chip_gen: v7x
topology: tpu7x:2x2x1
jax: 0.10.2.dev20260603
libtpu: 0.0.44.dev20260713+nightly
codegen_flags: <defaults>
</compile_context>

<pallas_src>
import functools

import jax
import jax.numpy as jnp
from jax import lax
from jax.experimental import pallas as pl
from jax.experimental.pallas import tpu as pltpu
from jax.experimental.pallas import tpu_sc as plsc

K = 16
B = 1024
D = 16
N = 100000
C = 2048
NCH = (N + C - 1) // C
NP = NCH * C
SB = C // 128

NW = 32
QW = B // NW
IW = QW * K


def _topk_body(train_ref, testT_ref, tr_ref, teT_ref, idx_ref, tv_ref, ti_ref):
    c = pl.program_id(0)

    @pl.when(c == 0)
    def _init():
        tv_ref[:] = jnp.full((K, B), 0x7F800000, jnp.int32)
        ti_ref[:] = lax.broadcasted_iota(jnp.int32, (K, B), 0)

    xc = train_ref[:]
    tT = testT_ref[:]
    trc = jnp.reshape(tr_ref[0], (C, 1))
    te = teT_ref[:]
    mm = jnp.dot(xc, tT, preferred_element_type=jnp.float32)
    d = jnp.sqrt(jnp.maximum(te + trc - 2.0 * mm, 0.0))
    di3 = jnp.reshape(lax.bitcast_convert_type(d, jnp.int32), (SB, 128, B))

    BIGI = jnp.int32(0x7FFFFFFF)
    slane = lax.broadcasted_iota(jnp.int32, (SB, 128, B), 1)
    jk = lax.broadcasted_iota(jnp.int32, (K, B), 0)
    jsb = lax.broadcasted_iota(jnp.int32, (SB, B), 0)

    def subscan(mf, pf, use_floor):
        dl = di3
        if use_floor:
            live = (di3 > mf[:, None, :]) | (
                (di3 == mf[:, None, :]) & (slane > pf[:, None, :]))
            dl = jnp.where(live, di3, BIGI)
        msub = jnp.min(dl, axis=1)
        psub = jnp.min(jnp.where(dl == msub[:, None, :], slane, 128), axis=1)
        return msub, psub

    def run_inner(msub, psub, tv, ti, mf, pf, w):
        m0 = jnp.min(msub, axis=0, keepdims=True)

        def icond(st):
            msub, psub, tv, ti, mf, pf, m, w, cnt = st
            return jnp.logical_and(cnt < K, jnp.any(m < w))

        def ibody(st):
            msub, psub, tv, ti, mf, pf, m, w, cnt = st
            sb = jnp.min(jnp.where(msub == m, jsb, SB), axis=0, keepdims=True)
            issb = jsb == sb
            l = jnp.sum(jnp.where(issb, psub, 0), axis=0, keepdims=True)
            g = sb * 128 + l + c * C
            isw = tv == w
            gmax = jnp.max(jnp.where(isw, ti, -1), axis=0, keepdims=True)
            repl = isw & (ti == gmax) & (m < w)
            tv = jnp.where(repl, jnp.broadcast_to(m, (K, B)), tv)
            ti = jnp.where(repl, jnp.broadcast_to(g, (K, B)), ti)
            w2 = jnp.max(tv, axis=0, keepdims=True)
            msub = jnp.where(issb, BIGI, msub)
            mf = jnp.where(issb, jnp.broadcast_to(m, (SB, B)), mf)
            pf = jnp.where(issb, jnp.broadcast_to(l, (SB, B)), pf)
            m2 = jnp.min(msub, axis=0, keepdims=True)
            return msub, psub, tv, ti, mf, pf, m2, w2, cnt + 1

        return lax.while_loop(
            icond, lambda st: ibody(ibody(st)),
            (msub, psub, tv, ti, mf, pf, m0, w, jnp.int32(0)))

    def run_inner_cached(msub, psub, msub2, psub2, tv, ti, mf, pf, w):
        m0 = jnp.min(msub, axis=0, keepdims=True)

        def icond(st):
            msub, psub, msub2, psub2, tv, ti, mf, pf, m, w, cnt = st
            return jnp.logical_and(cnt < K, jnp.any(m < w))

        def ibody(st):
            msub, psub, msub2, psub2, tv, ti, mf, pf, m, w, cnt = st
            sb = jnp.min(jnp.where(msub == m, jsb, SB), axis=0, keepdims=True)
            issb = jsb == sb
            l = jnp.sum(jnp.where(issb, psub, 0), axis=0, keepdims=True)
            g = sb * 128 + l + c * C
            isw = tv == w
            gmax = jnp.max(jnp.where(isw, ti, -1), axis=0, keepdims=True)
            repl = isw & (ti == gmax) & (m < w)
            tv = jnp.where(repl, jnp.broadcast_to(m, (K, B)), tv)
            ti = jnp.where(repl, jnp.broadcast_to(g, (K, B)), ti)
            w2 = jnp.max(tv, axis=0, keepdims=True)
            msub = jnp.where(issb, msub2, msub)
            psub = jnp.where(issb, psub2, psub)
            msub2 = jnp.where(issb, BIGI, msub2)
            mf = jnp.where(issb, jnp.broadcast_to(m, (SB, B)), mf)
            pf = jnp.where(issb, jnp.broadcast_to(l, (SB, B)), pf)
            m2 = jnp.min(msub, axis=0, keepdims=True)
            return msub, psub, msub2, psub2, tv, ti, mf, pf, m2, w2, cnt + 1

        return lax.while_loop(
            icond, lambda st: ibody(ibody(st)),
            (msub, psub, msub2, psub2, tv, ti, mf, pf, m0, w, jnp.int32(0)))

    tv = tv_ref[:]
    ti = ti_ref[:]
    mf0 = jnp.full((SB, B), -1, jnp.int32)
    pf0 = jnp.full((SB, B), -1, jnp.int32)
    msub, psub = subscan(mf0, pf0, False)
    w = jnp.max(tv, axis=0, keepdims=True)
    m0 = jnp.min(msub, axis=0, keepdims=True)
    need = jnp.any(m0 < w)

    def _mk2():
        live = (di3 > msub[:, None, :]) | (
            (di3 == msub[:, None, :]) & (slane > psub[:, None, :]))
        dl2 = jnp.where(live, di3, BIGI)
        ms2 = jnp.min(dl2, axis=1)
        ps2 = jnp.min(jnp.where(dl2 == ms2[:, None, :], slane, 128), axis=1)
        return ms2, ps2

    def _mk2_dummy():
        return (jnp.full((SB, B), BIGI, jnp.int32),
                jnp.full((SB, B), 128, jnp.int32))

    msub2, psub2 = lax.cond(need, _mk2, _mk2_dummy)
    msub_f, _, _, _, tv, ti, mf, pf, _, w, _ = run_inner_cached(
        msub, psub, msub2, psub2, tv, ti, mf0, pf0, w)
    go0 = jnp.any((msub_f == BIGI) & (mf < jnp.broadcast_to(w, (SB, B))))

    def ocond(st):
        tv, ti, mf, pf, w, go, ito = st
        return jnp.logical_and(go, ito < 2 * K)

    def obody(st):
        tv, ti, mf, pf, w, go, ito = st
        msub, psub = subscan(mf, pf, True)
        _, _, tv, ti, mf, pf, _, w, cnt2 = run_inner(msub, psub, tv, ti, mf, pf, w)
        return tv, ti, mf, pf, w, cnt2 > 0, ito + 1

    tv, ti, _, _, _, _, _ = lax.while_loop(
        ocond, obody, (tv, ti, mf, pf, w, go0, jnp.int32(0)))
    tv_ref[:] = tv
    ti_ref[:] = ti

    @pl.when(c == NCH - 1)
    def _out():
        idx_ref[:] = ti


def _topk_call(train_pad, testT, tr_pad, teT):
    return pl.pallas_call(
        _topk_body,
        grid=(NCH,),
        in_specs=[
            pl.BlockSpec((C, D), lambda c: (c, 0)),
            pl.BlockSpec((D, B), lambda c: (0, 0)),
            pl.BlockSpec((1, 1, C), lambda c: (c, 0, 0)),
            pl.BlockSpec((1, B), lambda c: (0, 0)),
        ],
        out_specs=pl.BlockSpec((K, B), lambda c: (0, 0)),
        out_shape=jax.ShapeDtypeStruct((K, B), jnp.int32),
        scratch_shapes=[
            pltpu.VMEM((K, B), jnp.int32),
            pltpu.VMEM((K, B), jnp.int32),
        ],
    )(train_pad, testT, tr_pad, teT)


def _gather_mean(train_y, idx_flat):
    mesh = plsc.VectorSubcoreMesh(core_axis_name="c", subcore_axis_name="s")

    @functools.partial(
        pl.kernel,
        mesh=mesh,
        out_type=jax.ShapeDtypeStruct((B, D), jnp.float32),
        scratch_types=[
            pltpu.VMEM((IW,), jnp.int32),
            pltpu.VMEM((IW, D), jnp.float32),
            pltpu.VMEM((QW, D), jnp.float32),
            pltpu.SemaphoreType.DMA,
        ],
        compiler_params=pltpu.CompilerParams(use_tc_tiling_on_sc=False),
    )
    def k(y_hbm, idx_hbm, out_hbm, idx_v, rows_v, acc_v, sem):
        wid = lax.axis_index("s") * 2 + lax.axis_index("c")
        base = wid * IW
        pltpu.sync_copy(idx_hbm.at[pl.ds(base, IW)], idx_v)
        pltpu.async_copy(y_hbm.at[idx_v], rows_v, sem).wait()

        def q_body(q, carry):
            acc = rows_v[q * K]
            for j in range(1, K):
                acc = acc + rows_v[q * K + j]
            acc_v[q] = acc * (1.0 / K)
            return carry

        lax.fori_loop(0, QW, q_body, 0)
        pltpu.sync_copy(acc_v, out_hbm.at[pl.ds(wid * QW, QW)])

    return k(train_y, idx_flat)


def kernel(train_x, train_y, test_x):
    train_pad = jnp.pad(train_x, ((0, NP - N), (0, 0)))
    testT = test_x.T
    tr = jnp.sum(train_x ** 2, axis=1, keepdims=True)
    te = jnp.sum(test_x ** 2, axis=1, keepdims=True)
    tr_pad = jnp.pad(tr[:, 0], (0, NP - N),
                     constant_values=jnp.inf).reshape(NCH, 1, C)
    idx = _topk_call(train_pad, testT, tr_pad, te.T)
    return _gather_mean(train_y, idx.T.reshape(B * K))

# --- scband reference (transcript-rebuilt; emitter-appended) ---
"""Pipeline reference for scband-knn-3341484556526 (READ-ONLY COPY).

The authoritative reference and input builder live on the scoring server;
editing this copy changes nothing except your own understanding.
"""

import jax, jax.numpy as jnp
import numpy as np

NUM_NEIGHBORS = 16
BATCH_SIZE = 1024


def setup_inputs(seed: int = 0) -> dict:
    key = jax.random.key(seed)
    k1, k2, k3 = jax.random.split(key, 3)
    train_x = jax.random.normal(k1, (100000, 16), dtype=jnp.float32)
    train_y = jax.random.normal(k2, (100000, 16), dtype=jnp.float32)
    test_x = jax.random.normal(k3, (1024, 16), dtype=jnp.float32)
    return {"train_x": train_x, "train_y": train_y, "test_x": test_x}


def reference(train_x, train_y, test_x):
    # ||x_tr||^2 per train point, shape [N, 1]
    train_squared = jnp.sum(train_x ** 2, axis=1, keepdims=True)
    outs = []
    n_batches = test_x.shape[0] // BATCH_SIZE + 1
    for i in range(n_batches):
        test_x_i = test_x[i * BATCH_SIZE:(i + 1) * BATCH_SIZE]
        if test_x_i.shape[0] == 0:
            continue
        test_squared_i = jnp.sum(test_x_i ** 2, axis=1, keepdims=True)
        # Euclidean distances [b, N]
        tr_te_distances = jnp.sqrt(
            test_squared_i + train_squared.T - 2.0 * jnp.matmul(test_x_i, train_x.T)
        )
        # smallest-k == top_k of negated distances
        _, test_knn_indices = jax.lax.top_k(-tr_te_distances, NUM_NEIGHBORS)
        # gather neighbor labels and average: [b, k, y_dim] -> [b, y_dim]
        test_pred_y_i = jnp.take(train_y, test_knn_indices, axis=0).mean(axis=1)
        outs.append(test_pred_y_i)
    return jnp.concatenate(outs, axis=0)

if __name__ == "__main__":
    import jax
    _d = setup_inputs()
    print(jax.jit(kernel)(*tuple(_d.values())))

</pallas_src>

<mosaic_0001>
#map = affine_map<(d0, d1) -> (0, 0)>
#map1 = affine_map<(d0, d1) -> (0)>
module attributes {stable_mosaic.version = 14 : i64} {
  func.func @k(%arg0: i32, %arg1: i32, %arg2: memref<100000x16xf32, #tpu.memory_space<hbm>>, %arg3: memref<16384xi32, #tpu.memory_space<hbm>>, %arg4: memref<1024x16xf32, #tpu.memory_space<hbm>>, %arg5: memref<512xi32, #tpu.memory_space<vmem>>, %arg6: memref<512x16xf32, #tpu.memory_space<vmem>>, %arg7: memref<32x16xf32, #tpu.memory_space<vmem>>, %arg8: memref<!tpu.dma_semaphore, #tpu.memory_space<semaphore_mem>>) attributes {dimension_semantics = [#tpu.dimension_semantics<core_parallel>, #tpu.dimension_semantics<subcore_parallel>], iteration_bounds = array<i64: 2, 16>, scalar_prefetch = 0 : i64, scratch_operands = 4 : i64, tpu.core_type = #tpu.core_type<sc_vector_subcore>, window_params = [{transform_indices = #map}, {transform_indices = #map1}, {transform_indices = #map}]} {
    %mul3A = arith.constant 2 : i32
    %mul3A_0 = arith.muli %arg1, %mul3A : i32
    %add3A = arith.addi %mul3A_0, %arg0 : i32
    %mul3A_1 = arith.constant 512 : i32
    %mul3A_2 = arith.muli %add3A, %mul3A_1 : i32
    "tpu.region"() ({
      %run_scoped3A = tpu.sem_alloc : memref<!tpu.dma_semaphore, #tpu.memory_space<semaphore_mem>>
      %dma_start3A_14 = tpu.memref_slice %arg3[%mul3A_2] : memref<16384xi32, #tpu.memory_space<hbm>> -> memref<512xi32, #tpu.memory_space<hbm>>
      %dma_start3A_15 = tpu.memref_slice %arg3[%mul3A_2] : memref<16384xi32, #tpu.memory_space<hbm>> -> memref<512xi32, #tpu.memory_space<hbm>>
      tpu.enqueue_dma source(%dma_start3A_15 : memref<512xi32, #tpu.memory_space<hbm>>) target(%arg5 : memref<512xi32, #tpu.memory_space<vmem>>) target_semaphore(%run_scoped3A : memref<!tpu.dma_semaphore, #tpu.memory_space<semaphore_mem>>)
      %dma_wait3A_16 = tpu.memref_slice %arg3[%mul3A_2] : memref<16384xi32, #tpu.memory_space<hbm>> -> memref<512xi32, #tpu.memory_space<hbm>>
      %dma_wait3A_17 = tpu.memref_slice %arg3[%mul3A_2] : memref<16384xi32, #tpu.memory_space<hbm>> -> memref<512xi32, #tpu.memory_space<hbm>>
      tpu.wait_dma2 semaphore(%run_scoped3A : memref<!tpu.dma_semaphore, #tpu.memory_space<semaphore_mem>>) src(%dma_wait3A_17 : memref<512xi32, #tpu.memory_space<hbm>>) dst(%arg5 : memref<512xi32, #tpu.memory_space<vmem>>)
      tpu.yield
    }) : () -> ()
    %dma_start3A = arith.constant 0 : i32
    %dma_start3A_3 = arith.constant 0 : i32
    %dma_start3A_4 = tpu.memref_slice %arg2[%dma_start3A, %dma_start3A_3] : memref<100000x16xf32, #tpu.memory_space<hbm>> -> memref<100000x16xf32, #tpu.memory_space<hbm>>
    tpu.enqueue_indirect_dma source(%dma_start3A_4 : memref<100000x16xf32, #tpu.memory_space<hbm>>) target(%arg6 : memref<512x16xf32, #tpu.memory_space<vmem>>) offsets(%arg5 : memref<512xi32, #tpu.memory_space<vmem>>) semaphore(%arg8 : memref<!tpu.dma_semaphore, #tpu.memory_space<semaphore_mem>>)
    %dma_wait3A = arith.constant 0 : i32
    %dma_wait3A_5 = arith.constant 0 : i32
    %dma_wait3A_6 = tpu.memref_slice %arg2[%dma_wait3A, %dma_wait3A_5] : memref<100000x16xf32, #tpu.memory_space<hbm>> -> memref<100000x16xf32, #tpu.memory_space<hbm>>
    tpu.wait_indirect_dma semaphore(%arg8 : memref<!tpu.dma_semaphore, #tpu.memory_space<semaphore_mem>>) src(%dma_wait3A_6 : memref<100000x16xf32, #tpu.memory_space<hbm>>) dst(%arg6 : memref<512x16xf32, #tpu.memory_space<vmem>>)
    %scan3A = arith.constant 0 : i32
    %scan3A_7 = arith.constant 0 : i32
    %scan3A_8 = arith.constant 32 : i32
    %scan3A_9 = arith.addi %scan3A_7, %scan3A_8 : i32
    %scan3A_10 = arith.constant 1 : i32
    scf.for %scan3A_14 = %scan3A_7 to %scan3A_9 step %scan3A_10  : i32 {
      %mul3A_15 = arith.constant 16 : i32
      %mul3A_16 = arith.muli %scan3A_14, %mul3A_15 : i32
      %get3A = arith.index_cast %mul3A_16 : i32 to index
      %get3A_17 = arith.constant 0 : index
      %get3A_18 = tpu.vector_load %arg6[%get3A, %get3A_17] {strides = array<i32>} : memref<512x16xf32, #tpu.memory_space<vmem>>, vector<1x16xf32>,
      %get3A_19 = vector.shape_cast %get3A_18 : vector<1x16xf32> to vector<16xf32>
      %mul3A_20 = arith.constant 16 : i32
      %mul3A_21 = arith.muli %scan3A_14, %mul3A_20 : i32
      %add3A_22 = arith.constant 1 : i32
      %add3A_23 = arith.addi %mul3A_21, %add3A_22 : i32
      %get3A_24 = arith.index_cast %add3A_23 : i32 to index
      %get3A_25 = arith.constant 0 : index
      %get3A_26 = tpu.vector_load %arg6[%get3A_24, %get3A_25] {strides = array<i32>} : memref<512x16xf32, #tpu.memory_space<vmem>>, vector<1x16xf32>,
      %get3A_27 = vector.shape_cast %get3A_26 : vector<1x16xf32> to vector<16xf32>
      %add3A_28 = arith.addf %get3A_19, %get3A_27 : vector<16xf32>
      %mul3A_29 = arith.constant 16 : i32
      %mul3A_30 = arith.muli %scan3A_14, %mul3A_29 : i32
      %add3A_31 = arith.constant 2 : i32
      %add3A_32 = arith.addi %mul3A_30, %add3A_31 : i32
      %get3A_33 = arith.index_cast %add3A_32 : i32 to index
      %get3A_34 = arith.constant 0 : index
      %get3A_35 = tpu.vector_load %arg6[%get3A_33, %get3A_34] {strides = array<i32>} : memref<512x16xf32, #tpu.memory_space<vmem>>, vector<1x16xf32>,
      %get3A_36 = vector.shape_cast %get3A_35 : vector<1x16xf32> to vector<16xf32>
      %add3A_37 = arith.addf %add3A_28, %get3A_36 : vector<16xf32>
      %mul3A_38 = arith.constant 16 : i32
      %mul3A_39 = arith.muli %scan3A_14, %mul3A_38 : i32
      %add3A_40 = arith.constant 3 : i32
      %add3A_41 = arith.addi %mul3A_39, %add3A_40 : i32
      %get3A_42 = arith.index_cast %add3A_41 : i32 to index
      %get3A_43 = arith.constant 0 : index
      %get3A_44 = tpu.vector_load %arg6[%get3A_42, %get3A_43] {strides = array<i32>} : memref<512x16xf32, #tpu.memory_space<vmem>>, vector<1x16xf32>,
      %get3A_45 = vector.shape_cast %get3A_44 : vector<1x16xf32> to vector<16xf32>
      %add3A_46 = arith.addf %add3A_37, %get3A_45 : vector<16xf32>
      %mul3A_47 = arith.constant 16 : i32
      %mul3A_48 = arith.muli %scan3A_14, %mul3A_47 : i32
      %add3A_49 = arith.constant 4 : i32
      %add3A_50 = arith.addi %mul3A_48, %add3A_49 : i32
      %get3A_51 = arith.index_cast %add3A_50 : i32 to index
      %get3A_52 = arith.constant 0 : index
      %get3A_53 = tpu.vector_load %arg6[%get3A_51, %get3A_52] {strides = array<i32>} : memref<512x16xf32, #tpu.memory_space<vmem>>, vector<1x16xf32>,
      %get3A_54 = vector.shape_cast %get3A_53 : vector<1x16xf32> to vector<16xf32>
      %add3A_55 = arith.addf %add3A_46, %get3A_54 : vector<16xf32>
      %mul3A_56 = arith.constant 16 : i32
      %mul3A_57 = arith.muli %scan3A_14, %mul3A_56 : i32
      %add3A_58 = arith.constant 5 : i32
      %add3A_59 = arith.addi %mul3A_57, %add3A_58 : i32
      %get3A_60 = arith.index_cast %add3A_59 : i32 to index
      %get3A_61 = arith.constant 0 : index
      %get3A_62 = tpu.vector_load %arg6[%get3A_60, %get3A_61] {strides = array<i32>} : memref<512x16xf32, #tpu.memory_space<vmem>>, vector<1x16xf32>,
      %get3A_63 = vector.shape_cast %get3A_62 : vector<1x16xf32> to vector<16xf32>
      %add3A_64 = arith.addf %add3A_55, %get3A_63 : vector<16xf32>
      %mul3A_65 = arith.constant 16 : i32
      %mul3A_66 = arith.muli %scan3A_14, %mul3A_65 : i32
      %add3A_67 = arith.constant 6 : i32
      %add3A_68 = arith.addi %mul3A_66, %add3A_67 : i32
      %get3A_69 = arith.index_cast %add3A_68 : i32 to index
      %get3A_70 = arith.constant 0 : index
      %get3A_71 = tpu.vector_load %arg6[%get3A_69, %get3A_70] {strides = array<i32>} : memref<512x16xf32, #tpu.memory_space<vmem>>, vector<1x16xf32>,
      %get3A_72 = vector.shape_cast %get3A_71 : vector<1x16xf32> to vector<16xf32>
      %add3A_73 = arith.addf %add3A_64, %get3A_72 : vector<16xf32>
      %mul3A_74 = arith.constant 16 : i32
      %mul3A_75 = arith.muli %scan3A_14, %mul3A_74 : i32
      %add3A_76 = arith.constant 7 : i32
      %add3A_77 = arith.addi %mul3A_75, %add3A_76 : i32
      %get3A_78 = arith.index_cast %add3A_77 : i32 to index
      %get3A_79 = arith.constant 0 : index
      %get3A_80 = tpu.vector_load %arg6[%get3A_78, %get3A_79] {strides = array<i32>} : memref<512x16xf32, #tpu.memory_space<vmem>>, vector<1x16xf32>,
      %get3A_81 = vector.shape_cast %get3A_80 : vector<1x16xf32> to vector<16xf32>
      %add3A_82 = arith.addf %add3A_73, %get3A_81 : vector<16xf32>
      %mul3A_83 = arith.constant 16 : i32
      %mul3A_84 = arith.muli %scan3A_14, %mul3A_83 : i32
      %add3A_85 = arith.constant 8 : i32
      %add3A_86 = arith.addi %mul3A_84, %add3A_85 : i32
      %get3A_87 = arith.index_cast %add3A_86 : i32 to index
      %get3A_88 = arith.constant 0 : index
      %get3A_89 = tpu.vector_load %arg6[%get3A_87, %get3A_88] {strides = array<i32>} : memref<512x16xf32, #tpu.memory_space<vmem>>, vector<1x16xf32>,
      %get3A_90 = vector.shape_cast %get3A_89 : vector<1x16xf32> to vector<16xf32>
      %add3A_91 = arith.addf %add3A_82, %get3A_90 : vector<16xf32>
      %mul3A_92 = arith.constant 16 : i32
      %mul3A_93 = arith.muli %scan3A_14, %mul3A_92 : i32
      %add3A_94 = arith.constant 9 : i32
      %add3A_95 = arith.addi %mul3A_93, %add3A_94 : i32
      %get3A_96 = arith.index_cast %add3A_95 : i32 to index
      %get3A_97 = arith.constant 0 : index
      %get3A_98 = tpu.vector_load %arg6[%get3A_96, %get3A_97] {strides = array<i32>} : memref<512x16xf32, #tpu.memory_space<vmem>>, vector<1x16xf32>,
      %get3A_99 = vector.shape_cast %get3A_98 : vector<1x16xf32> to vector<16xf32>
      %add3A_100 = arith.addf %add3A_91, %get3A_99 : vector<16xf32>
      %mul3A_101 = arith.constant 16 : i32
      %mul3A_102 = arith.muli %scan3A_14, %mul3A_101 : i32
      %add3A_103 = arith.constant 10 : i32
      %add3A_104 = arith.addi %mul3A_102, %add3A_103 : i32
      %get3A_105 = arith.index_cast %add3A_104 : i32 to index
      %get3A_106 = arith.constant 0 : index
      %get3A_107 = tpu.vector_load %arg6[%get3A_105, %get3A_106] {strides = array<i32>} : memref<512x16xf32, #tpu.memory_space<vmem>>, vector<1x16xf32>,
      %get3A_108 = vector.shape_cast %get3A_107 : vector<1x16xf32> to vector<16xf32>
      %add3A_109 = arith.addf %add3A_100, %get3A_108 : vector<16xf32>
      %mul3A_110 = arith.constant 16 : i32
      %mul3A_111 = arith.muli %scan3A_14, %mul3A_110 : i32
      %add3A_112 = arith.constant 11 : i32
      %add3A_113 = arith.addi %mul3A_111, %add3A_112 : i32
      %get3A_114 = arith.index_cast %add3A_113 : i32 to index
      %get3A_115 = arith.constant 0 : index
      %get3A_116 = tpu.vector_load %arg6[%get3A_114, %get3A_115] {strides = array<i32>} : memref<512x16xf32, #tpu.memory_space<vmem>>, vector<1x16xf32>,
      %get3A_117 = vector.shape_cast %get3A_116 : vector<1x16xf32> to vector<16xf32>
      %add3A_118 = arith.addf %add3A_109, %get3A_117 : vector<16xf32>
      %mul3A_119 = arith.constant 16 : i32
      %mul3A_120 = arith.muli %scan3A_14, %mul3A_119 : i32
      %add3A_121 = arith.constant 12 : i32
      %add3A_122 = arith.addi %mul3A_120, %add3A_121 : i32
      %get3A_123 = arith.index_cast %add3A_122 : i32 to index
      %get3A_124 = arith.constant 0 : index
      %get3A_125 = tpu.vector_load %arg6[%get3A_123, %get3A_124] {strides = array<i32>} : memref<512x16xf32, #tpu.memory_space<vmem>>, vector<1x16xf32>,
      %get3A_126 = vector.shape_cast %get3A_125 : vector<1x16xf32> to vector<16xf32>
      %add3A_127 = arith.addf %add3A_118, %get3A_126 : vector<16xf32>
      %mul3A_128 = arith.constant 16 : i32
      %mul3A_129 = arith.muli %scan3A_14, %mul3A_128 : i32
      %add3A_130 = arith.constant 13 : i32
      %add3A_131 = arith.addi %mul3A_129, %add3A_130 : i32
      %get3A_132 = arith.index_cast %add3A_131 : i32 to index
      %get3A_133 = arith.constant 0 : index
      %get3A_134 = tpu.vector_load %arg6[%get3A_132, %get3A_133] {strides = array<i32>} : memref<512x16xf32, #tpu.memory_space<vmem>>, vector<1x16xf32>,
      %get3A_135 = vector.shape_cast %get3A_134 : vector<1x16xf32> to vector<16xf32>
      %add3A_136 = arith.addf %add3A_127, %get3A_135 : vector<16xf32>
      %mul3A_137 = arith.constant 16 : i32
      %mul3A_138 = arith.muli %scan3A_14, %mul3A_137 : i32
      %add3A_139 = arith.constant 14 : i32
      %add3A_140 = arith.addi %mul3A_138, %add3A_139 : i32
      %get3A_141 = arith.index_cast %add3A_140 : i32 to index
      %get3A_142 = arith.constant 0 : index
      %get3A_143 = tpu.vector_load %arg6[%get3A_141, %get3A_142] {strides = array<i32>} : memref<512x16xf32, #tpu.memory_space<vmem>>, vector<1x16xf32>,
      %get3A_144 = vector.shape_cast %get3A_143 : vector<1x16xf32> to vector<16xf32>
      %add3A_145 = arith.addf %add3A_136, %get3A_144 : vector<16xf32>
      %mul3A_146 = arith.constant 16 : i32
      %mul3A_147 = arith.muli %scan3A_14, %mul3A_146 : i32
      %add3A_148 = arith.constant 15 : i32
      %add3A_149 = arith.addi %mul3A_147, %add3A_148 : i32
      %get3A_150 = arith.index_cast %add3A_149 : i32 to index
      %get3A_151 = arith.constant 0 : index
      %get3A_152 = tpu.vector_load %arg6[%get3A_150, %get3A_151] {strides = array<i32>} : memref<512x16xf32, #tpu.memory_space<vmem>>, vector<1x16xf32>,
      %get3A_153 = vector.shape_cast %get3A_152 : vector<1x16xf32> to vector<16xf32>
      %add3A_154 = arith.addf %add3A_145, %get3A_153 : vector<16xf32>
      %mul3A_155 = arith.constant 6.250000e-02 : f32
      %mul3A_156 = vector.broadcast %mul3A_155 : f32 to vector<16xf32>
      %mul3A_157 = arith.mulf %add3A_154, %mul3A_156 : vector<16xf32>
      %swap3A = arith.index_cast %scan3A_14 : i32 to index
      %swap3A_158 = arith.constant 0 : index
      %swap3A_159 = tpu.vector_load %arg7[%swap3A, %swap3A_158] {strides = array<i32>} : memref<32x16xf32, #tpu.memory_space<vmem>>, vector<1x16xf32>,
      %swap3A_160 = vector.shape_cast %swap3A_159 : vector<1x16xf32> to vector<16xf32>
      %swap3A_161 = vector.shape_cast %mul3A_157 : vector<16xf32> to vector<1x16xf32>
      tpu.vector_store %arg7[%swap3A, %swap3A_158], %swap3A_161 {strides = array<i32>} : memref<32x16xf32, #tpu.memory_space<vmem>>, vector<1x16xf32>,
    }
    %scan3A_11 = arith.constant 32 : i32
    %mul3A_12 = arith.constant 32 : i32
    %mul3A_13 = arith.muli %add3A, %mul3A_12 : i32
    "tpu.region"() ({
      %run_scoped3A = tpu.sem_alloc : memref<!tpu.dma_semaphore, #tpu.memory_space<semaphore_mem>>
      %dma_start3A_14 = arith.constant 0 : i32
      %dma_start3A_15 = tpu.memref_slice %arg4[%mul3A_13, %dma_start3A_14] : memref<1024x16xf32, #tpu.memory_space<hbm>> -> memref<32x16xf32, #tpu.memory_space<hbm>>
      %dma_start3A_16 = arith.constant 0 : i32
      %dma_start3A_17 = tpu.memref_slice %arg4[%mul3A_13, %dma_start3A_16] : memref<1024x16xf32, #tpu.memory_space<hbm>> -> memref<32x16xf32, #tpu.memory_space<hbm>>
      tpu.enqueue_dma source(%arg7 : memref<32x16xf32, #tpu.memory_space<vmem>>) target(%dma_start3A_17 : memref<32x16xf32, #tpu.memory_space<hbm>>) target_semaphore(%run_scoped3A : memref<!tpu.dma_semaphore, #tpu.memory_space<semaphore_mem>>)
      %dma_wait3A_18 = arith.constant 0 : i32
      %dma_wait3A_19 = tpu.memref_slice %arg4[%mul3A_13, %dma_wait3A_18] : memref<1024x16xf32, #tpu.memory_space<hbm>> -> memref<32x16xf32, #tpu.memory_space<hbm>>
      %dma_wait3A_20 = arith.constant 0 : i32
      %dma_wait3A_21 = tpu.memref_slice %arg4[%mul3A_13, %dma_wait3A_20] : memref<1024x16xf32, #tpu.memory_space<hbm>> -> memref<32x16xf32, #tpu.memory_space<hbm>>
      tpu.wait_dma2 semaphore(%run_scoped3A : memref<!tpu.dma_semaphore, #tpu.memory_space<semaphore_mem>>) src(%arg7 : memref<32x16xf32, #tpu.memory_space<vmem>>) dst(%dma_wait3A_21 : memref<32x16xf32, #tpu.memory_space<hbm>>)
      tpu.yield
    }) : () -> ()
    return
  }
}

module attributes {stable_mosaic.version = 14 : i64} {
  func.func @_topk_body(%arg0: i32, %arg1: memref<2048x16xf32, #tpu.memory_space<vmem>>, %arg2: memref<16x1024xf32, #tpu.memory_space<vmem>>, %arg3: memref<1x1x2048xf32, #tpu.memory_space<vmem>>, %arg4: memref<1x1024xf32, #tpu.memory_space<vmem>>, %arg5: memref<16x1024xi32, #tpu.memory_space<vmem>>, %arg6: memref<16x1024xi32, #tpu.memory_space<vmem>>, %arg7: memref<16x1024xi32, #tpu.memory_space<vmem>>) attributes {dimension_semantics = [#tpu.dimension_semantics<arbitrary>], iteration_bounds = array<i64: 49>, scalar_prefetch = 0 : i64, scratch_operands = 2 : i64, tpu.core_type = #tpu.core_type<tc>, window_params = [{transform_indices = @transform_0, window_bounds = array<i64: 2048, 16>}, {pipeline_mode = #tpu.pipeline_mode<synchronous>, transform_indices = @transform_1, window_bounds = array<i64: 16, 1024>}, {transform_indices = @transform_2, window_bounds = array<i64: 1, 1, 2048>}, {pipeline_mode = #tpu.pipeline_mode<synchronous>, transform_indices = @transform_3, window_bounds = array<i64: 1, 1024>}, {pipeline_mode = #tpu.pipeline_mode<synchronous>, transform_indices = @transform_4, window_bounds = array<i64: 16, 1024>}]} {
    %eq3A = arith.constant 0 : i32
    %eq3A_0 = arith.cmpi eq, %arg0, %eq3A : i32
    %convert_element_type3A = arith.extui %eq3A_0 : i1 to i32
    %cond3A = arith.constant 0 : i32
    %cond3A_1 = arith.cmpi ne, %convert_element_type3A, %cond3A : i32
    scf.if %cond3A_1 {
      %broadcast_in_dim3A_97 = arith.constant 2139095040 : i32
      %broadcast_in_dim3A_98 = vector.broadcast %broadcast_in_dim3A_97 : i32 to vector<16x1024xi32>
      %swap3A_99 = arith.constant 0 : index
      %swap3A_100 = arith.constant 0 : index
      %swap3A_101 = vector.load %arg6[%swap3A_99, %swap3A_100] : memref<16x1024xi32, #tpu.memory_space<vmem>>, vector<16x1024xi32>
      tpu.vector_store %arg6[%swap3A_99, %swap3A_100], %broadcast_in_dim3A_98 {strides = array<i32>} : memref<16x1024xi32, #tpu.memory_space<vmem>>, vector<16x1024xi32>,
      %iota3A_102 = tpu.iota {dimensions = array<i32: 0>} : vector<16x1024xi32>
      %swap3A_103 = arith.constant 0 : index
      %swap3A_104 = arith.constant 0 : index
      %swap3A_105 = vector.load %arg7[%swap3A_103, %swap3A_104] : memref<16x1024xi32, #tpu.memory_space<vmem>>, vector<16x1024xi32>
      tpu.vector_store %arg7[%swap3A_103, %swap3A_104], %iota3A_102 {strides = array<i32>} : memref<16x1024xi32, #tpu.memory_space<vmem>>, vector<16x1024xi32>,
    } else {
    }
    %get3A = arith.constant 0 : index
    %get3A_2 = arith.constant 0 : index
    %get3A_3 = vector.load %arg1[%get3A, %get3A_2] : memref<2048x16xf32, #tpu.memory_space<vmem>>, vector<2048x16xf32>
    %get3A_4 = arith.constant 0 : index
    %get3A_5 = arith.constant 0 : index
    %get3A_6 = vector.load %arg2[%get3A_4, %get3A_5] : memref<16x1024xf32, #tpu.memory_space<vmem>>, vector<16x1024xf32>
    %get3A_7 = arith.constant 0 : index
    %get3A_8 = arith.constant 0 : index
    %get3A_9 = arith.constant 0 : index
    %get3A_10 = vector.load %arg3[%get3A_7, %get3A_8, %get3A_9] : memref<1x1x2048xf32, #tpu.memory_space<vmem>>, vector<1x1x2048xf32>
    %get3A_11 = vector.shape_cast %get3A_10 : vector<1x1x2048xf32> to vector<1x2048xf32>
    %reshape3A = vector.shape_cast %get3A_11 : vector<1x2048xf32> to vector<2048x1xf32>
    %get3A_12 = arith.constant 0 : index
    %get3A_13 = arith.constant 0 : index
    %get3A_14 = vector.load %arg4[%get3A_12, %get3A_13] : memref<1x1024xf32, #tpu.memory_space<vmem>>, vector<1x1024xf32>
    %dot_general3A = arith.constant dense<0.000000e+00> : vector<2048x1024xf32>
    %dot_general3A_15 = tpu.matmul %get3A_3, %get3A_6, %dot_general3A {dimension_numbers = #tpu.dot_dimension_numbers<[1], [0], [0], [1], [0, 0, 1, 1], [], []>, transpose_lhs_hint = false} : vector<2048x16xf32>, vector<16x1024xf32>, vector<2048x1024xf32> -> vector<2048x1024xf32>
    %add3A = vector.broadcast %get3A_14 : vector<1x1024xf32> to vector<2048x1024xf32>
    %add3A_16 = vector.broadcast %reshape3A : vector<2048x1xf32> to vector<2048x1024xf32>
    %add3A_17 = arith.addf %add3A, %add3A_16 : vector<2048x1024xf32>
    %mul3A = arith.constant 2.000000e+00 : f32
    %mul3A_18 = vector.broadcast %mul3A : f32 to vector<2048x1024xf32>
    %mul3A_19 = arith.mulf %mul3A_18, %dot_general3A_15 : vector<2048x1024xf32>
    %sub3A = arith.subf %add3A_17, %mul3A_19 : vector<2048x1024xf32>
    %max3A = arith.constant 0.000000e+00 : f32
    %max3A_20 = vector.broadcast %max3A : f32 to vector<2048x1024xf32>
    %max3A_21 = arith.maximumf %sub3A, %max3A_20 : vector<2048x1024xf32>
    %sqrt3A = math.sqrt %max3A_21 : vector<2048x1024xf32>
    %bitcast_convert_type3A = tpu.bitcast %sqrt3A : vector<2048x1024xf32> -> vector<2048x1024xi32>
    %reshape3A_22 = vector.shape_cast %bitcast_convert_type3A : vector<2048x1024xi32> to vector<16x128x1024xi32>
    %iota3A = tpu.iota {dimensions = array<i32: 1>} : vector<16x128x1024xi32>
    %iota3A_23 = tpu.iota {dimensions = array<i32: 0>} : vector<16x1024xi32>
    %get3A_24 = arith.constant 0 : index
    %get3A_25 = arith.constant 0 : index
    %get3A_26 = vector.load %arg6[%get3A_24, %get3A_25] : memref<16x1024xi32, #tpu.memory_space<vmem>>, vector<16x1024xi32>
    %get3A_27 = arith.constant 0 : index
    %get3A_28 = arith.constant 0 : index
    %get3A_29 = vector.load %arg7[%get3A_27, %get3A_28] : memref<16x1024xi32, #tpu.memory_space<vmem>>, vector<16x1024xi32>
    %broadcast_in_dim3A = arith.constant -1 : i32
    %broadcast_in_dim3A_30 = vector.broadcast %broadcast_in_dim3A : i32 to vector<16x1024xi32>
    %broadcast_in_dim3A_31 = arith.constant -1 : i32
    %broadcast_in_dim3A_32 = vector.broadcast %broadcast_in_dim3A_31 : i32 to vector<16x1024xi32>
    %reduce_min3A = arith.constant dense<2147483647> : vector<16x1024xi32>
    %reduce_min3A_33 = vector.multi_reduction <minsi>, %reshape3A_22, %reduce_min3A [1] : vector<16x128x1024xi32> to vector<16x1024xi32>
    %broadcast_in_dim3A_34 = vector.shape_cast %reduce_min3A_33 : vector<16x1024xi32> to vector<16x1x1024xi32>
    %eq3A_35 = vector.broadcast %broadcast_in_dim3A_34 : vector<16x1x1024xi32> to vector<16x128x1024xi32>
    %eq3A_36 = arith.cmpi eq, %reshape3A_22, %eq3A_35 : vector<16x128x1024xi32>
    %jit3A = arith.constant 128 : i32
    %broadcast_in_dim3A_37 = vector.broadcast %jit3A : i32 to vector<16x128x1024xi32>
    %select_n3A = arith.select %eq3A_36, %iota3A, %broadcast_in_dim3A_37 : vector<16x128x1024xi1>, vector<16x128x1024xi32>
    %reduce_min3A_38 = arith.constant dense<2147483647> : vector<16x1024xi32>
    %reduce_min3A_39 = vector.multi_reduction <minsi>, %select_n3A, %reduce_min3A_38 [1] : vector<16x128x1024xi32> to vector<16x1024xi32>
    %reduce_max3A = arith.constant dense<-2147483648> : vector<1024xi32>
    %reduce_max3A_40 = vector.multi_reduction <maxsi>, %get3A_26, %reduce_max3A [0] : vector<16x1024xi32> to vector<1024xi32>
    %broadcast_in_dim3A_41 = vector.shape_cast %reduce_max3A_40 : vector<1024xi32> to vector<1x1024xi32>
    %reduce_min3A_42 = arith.constant dense<2147483647> : vector<1024xi32>
    %reduce_min3A_43 = vector.multi_reduction <minsi>, %reduce_min3A_33, %reduce_min3A_42 [0] : vector<16x1024xi32> to vector<1024xi32>
    %broadcast_in_dim3A_44 = vector.shape_cast %reduce_min3A_43 : vector<1024xi32> to vector<1x1024xi32>
    %lt3A = arith.cmpi slt, %broadcast_in_dim3A_44, %broadcast_in_dim3A_41 : vector<1x1024xi32>
    %reduce_or3A = arith.constant 1.000000e+00 : f32
    %reduce_or3A_45 = arith.constant 0.000000e+00 : f32
    %reduce_or3A_46 = vector.broadcast %reduce_or3A : f32 to vector<1x1024xf32>
    %reduce_or3A_47 = vector.broadcast %reduce_or3A_45 : f32 to vector<1x1024xf32>
    %reduce_or3A_48 = arith.select %lt3A, %reduce_or3A_46, %reduce_or3A_47 : vector<1x1024xi1>, vector<1x1024xf32>
    %reduce_or3A_49 = vector.shape_cast %reduce_or3A_48 : vector<1x1024xf32> to vector<1x1x1024xf32>
    %reduce_or3A_50 = arith.constant dense<0xFF800000> : vector<1xf32>
    %reduce_or3A_51 = vector.multi_reduction <maximumf>, %reduce_or3A_49, %reduce_or3A_50 [1, 2] : vector<1x1x1024xf32> to vector<1xf32>
    %reduce_or3A_52 = vector.shape_cast %reduce_or3A_51 : vector<1xf32> to vector<1x1x1xf32>
    %reduce_or3A_53 = vector.extract %reduce_or3A_52[0, 0, 0] : f32 from vector<1x1x1xf32>
    %reduce_or3A_54 = arith.constant 0.000000e+00 : f32
    %reduce_or3A_55 = arith.cmpf ogt, %reduce_or3A_53, %reduce_or3A_54 : f32
    %convert_element_type3A_56 = arith.extui %reduce_or3A_55 : i1 to i32
    %cond3A_57 = arith.constant 2147483647 : i32
    %cond3A_58 = arith.constant 0 : i32
    %cond3A_59 = arith.cmpi ne, %convert_element_type3A_56, %cond3A_58 : i32
    %cond3A_60:2 = scf.if %cond3A_59 -> (vector<16x1024xi32>, vector<16x1024xi32>) {
      %broadcast_in_dim3A_97 = vector.shape_cast %reduce_min3A_33 : vector<16x1024xi32> to vector<16x1x1024xi32>
      %gt3A = vector.broadcast %broadcast_in_dim3A_97 : vector<16x1x1024xi32> to vector<16x128x1024xi32>
      %gt3A_98 = arith.cmpi sgt, %reshape3A_22, %gt3A : vector<16x128x1024xi32>
      %broadcast_in_dim3A_99 = vector.shape_cast %reduce_min3A_33 : vector<16x1024xi32> to vector<16x1x1024xi32>
      %eq3A_100 = vector.broadcast %broadcast_in_dim3A_99 : vector<16x1x1024xi32> to vector<16x128x1024xi32>
      %eq3A_101 = arith.cmpi eq, %reshape3A_22, %eq3A_100 : vector<16x128x1024xi32>
      %broadcast_in_dim3A_102 = vector.shape_cast %reduce_min3A_39 : vector<16x1024xi32> to vector<16x1x1024xi32>
      %gt3A_103 = vector.broadcast %broadcast_in_dim3A_102 : vector<16x1x1024xi32> to vector<16x128x1024xi32>
      %gt3A_104 = arith.cmpi sgt, %iota3A, %gt3A_103 : vector<16x128x1024xi32>
      %and3A_105 = arith.andi %eq3A_101, %gt3A_104 : vector<16x128x1024xi1>
      %or3A = arith.ori %gt3A_98, %and3A_105 : vector<16x128x1024xi1>
      %broadcast_in_dim3A_106 = vector.broadcast %cond3A_57 : i32 to vector<16x128x1024xi32>
      %select_n3A_107 = arith.select %or3A, %reshape3A_22, %broadcast_in_dim3A_106 : vector<16x128x1024xi1>, vector<16x128x1024xi32>
      %reduce_min3A_108 = arith.constant dense<2147483647> : vector<16x1024xi32>
      %reduce_min3A_109 = vector.multi_reduction <minsi>, %select_n3A_107, %reduce_min3A_108 [1] : vector<16x128x1024xi32> to vector<16x1024xi32>
      %broadcast_in_dim3A_110 = vector.shape_cast %reduce_min3A_109 : vector<16x1024xi32> to vector<16x1x1024xi32>
      %eq3A_111 = vector.broadcast %broadcast_in_dim3A_110 : vector<16x1x1024xi32> to vector<16x128x1024xi32>
      %eq3A_112 = arith.cmpi eq, %select_n3A_107, %eq3A_111 : vector<16x128x1024xi32>
      %jit3A_113 = arith.constant 128 : i32
      %broadcast_in_dim3A_114 = vector.broadcast %jit3A_113 : i32 to vector<16x128x1024xi32>
      %select_n3A_115 = arith.select %eq3A_112, %iota3A, %broadcast_in_dim3A_114 : vector<16x128x1024xi1>, vector<16x128x1024xi32>
      %reduce_min3A_116 = arith.constant dense<2147483647> : vector<16x1024xi32>
      %reduce_min3A_117 = vector.multi_reduction <minsi>, %select_n3A_115, %reduce_min3A_116 [1] : vector<16x128x1024xi32> to vector<16x1024xi32>
      scf.yield %reduce_min3A_109, %reduce_min3A_117 : vector<16x1024xi32>, vector<16x1024xi32>
    } else {
      %broadcast_in_dim3A_97 = vector.broadcast %cond3A_57 : i32 to vector<16x1024xi32>
      %broadcast_in_dim3A_98 = arith.constant 128 : i32
      %broadcast_in_dim3A_99 = vector.broadcast %broadcast_in_dim3A_98 : i32 to vector<16x1024xi32>
      scf.yield %broadcast_in_dim3A_97, %broadcast_in_dim3A_99 : vector<16x1024xi32>, vector<16x1024xi32>
    }
    %reduce_min3A_61 = arith.constant dense<2147483647> : vector<1024xi32>
    %reduce_min3A_62 = vector.multi_reduction <minsi>, %reduce_min3A_33, %reduce_min3A_61 [0] : vector<16x1024xi32> to vector<1024xi32>
    %broadcast_in_dim3A_63 = vector.shape_cast %reduce_min3A_62 : vector<1024xi32> to vector<1x1024xi32>
    %while3A = arith.constant 2147483647 : i32
    %while3A_64 = arith.constant 0 : i32
    %while3A_65:10 = scf.while (%while3A_97 = %reduce_min3A_33, %while3A_98 = %reduce_min3A_39, %while3A_99 = %cond3A_60#0, %while3A_100 = %get3A_26, %while3A_101 = %get3A_29, %while3A_102 = %broadcast_in_dim3A_30, %while3A_103 = %broadcast_in_dim3A_32, %while3A_104 = %broadcast_in_dim3A_63, %while3A_105 = %broadcast_in_dim3A_41, %while3A_106 = %while3A_64) : (vector<16x1024xi32>, vector<16x1024xi32>, vector<16x1024xi32>, vector<16x1024xi32>, vector<16x1024xi32>, vector<16x1024xi32>, vector<16x1024xi32>, vector<1x1024xi32>, vector<1x1024xi32>, i32) -> (vector<16x1024xi32>, vector<16x1024xi32>, vector<16x1024xi32>, vector<16x1024xi32>, vector<16x1024xi32>, vector<16x1024xi32>, vector<16x1024xi32>, vector<1x1024xi32>, vector<1x1024xi32>, i32) {
      %lt3A_107 = arith.constant 16 : i32
      %lt3A_108 = arith.cmpi slt, %while3A_106, %lt3A_107 : i32
      %lt3A_109 = arith.cmpi slt, %while3A_104, %while3A_105 : vector<1x1024xi32>
      %reduce_or3A_110 = arith.constant 1.000000e+00 : f32
      %reduce_or3A_111 = arith.constant 0.000000e+00 : f32
      %reduce_or3A_112 = vector.broadcast %reduce_or3A_110 : f32 to vector<1x1024xf32>
      %reduce_or3A_113 = vector.broadcast %reduce_or3A_111 : f32 to vector<1x1024xf32>
      %reduce_or3A_114 = arith.select %lt3A_109, %reduce_or3A_112, %reduce_or3A_113 : vector<1x1024xi1>, vector<1x1024xf32>
      %reduce_or3A_115 = vector.shape_cast %reduce_or3A_114 : vector<1x1024xf32> to vector<1x1x1024xf32>
      %reduce_or3A_116 = arith.constant dense<0xFF800000> : vector<1xf32>
      %reduce_or3A_117 = vector.multi_reduction <maximumf>, %reduce_or3A_115, %reduce_or3A_116 [1, 2] : vector<1x1x1024xf32> to vector<1xf32>
      %reduce_or3A_118 = vector.shape_cast %reduce_or3A_117 : vector<1xf32> to vector<1x1x1xf32>
      %reduce_or3A_119 = vector.extract %reduce_or3A_118[0, 0, 0] : f32 from vector<1x1x1xf32>
      %reduce_or3A_120 = arith.constant 0.000000e+00 : f32
      %reduce_or3A_121 = arith.cmpf ogt, %reduce_or3A_119, %reduce_or3A_120 : f32
      %and3A_122 = arith.andi %lt3A_108, %reduce_or3A_121 : i1
      scf.condition(%and3A_122) %while3A_97, %while3A_98, %while3A_99, %while3A_100, %while3A_101, %while3A_102, %while3A_103, %while3A_104, %while3A_105, %while3A_106 : vector<16x1024xi32>, vector<16x1024xi32>, vector<16x1024xi32>, vector<16x1024xi32>, vector<16x1024xi32>, vector<16x1024xi32>, vector<16x1024xi32>, vector<1x1024xi32>, vector<1x1024xi32>, i32
    } do {
    ^bb0(%while3A_97: vector<16x1024xi32>, %while3A_98: vector<16x1024xi32>, %while3A_99: vector<16x1024xi32>, %while3A_100: vector<16x1024xi32>, %while3A_101: vector<16x1024xi32>, %while3A_102: vector<16x1024xi32>, %while3A_103: vector<16x1024xi32>, %while3A_104: vector<1x1024xi32>, %while3A_105: vector<1x1024xi32>, %while3A_106: i32):
      %eq3A_107 = vector.broadcast %while3A_104 : vector<1x1024xi32> to vector<16x1024xi32>
      %eq3A_108 = arith.cmpi eq, %while3A_97, %eq3A_107 : vector<16x1024xi32>
      %jit3A_109 = arith.constant 16 : i32
      %broadcast_in_dim3A_110 = vector.broadcast %jit3A_109 : i32 to vector<16x1024xi32>
      %select_n3A_111 = arith.select %eq3A_108, %iota3A_23, %broadcast_in_dim3A_110 : vector<16x1024xi1>, vector<16x1024xi32>
      %reduce_min3A_112 = arith.constant dense<2147483647> : vector<1024xi32>
      %reduce_min3A_113 = vector.multi_reduction <minsi>, %select_n3A_111, %reduce_min3A_112 [0] : vector<16x1024xi32> to vector<1024xi32>
      %broadcast_in_dim3A_114 = vector.shape_cast %reduce_min3A_113 : vector<1024xi32> to vector<1x1024xi32>
      %eq3A_115 = vector.broadcast %broadcast_in_dim3A_114 : vector<1x1024xi32> to vector<16x1024xi32>
      %eq3A_116 = arith.cmpi eq, %iota3A_23, %eq3A_115 : vector<16x1024xi32>
      %jit3A_117 = arith.constant 0 : i32
      %broadcast_in_dim3A_118 = vector.broadcast %jit3A_117 : i32 to vector<16x1024xi32>
      %select_n3A_119 = arith.select %eq3A_116, %while3A_98, %broadcast_in_dim3A_118 : vector<16x1024xi1>, vector<16x1024xi32>
      %reduce_sum3A = arith.constant dense<0> : vector<1024xi32>
      %reduce_sum3A_120 = vector.multi_reduction <add>, %select_n3A_119, %reduce_sum3A [0] : vector<16x1024xi32> to vector<1024xi32>
      %broadcast_in_dim3A_121 = vector.shape_cast %reduce_sum3A_120 : vector<1024xi32> to vector<1x1024xi32>
      %mul3A_122 = arith.constant 128 : i32
      %mul3A_123 = vector.broadcast %mul3A_122 : i32 to vector<1x1024xi32>
      %mul3A_124 = arith.muli %broadcast_in_dim3A_114, %mul3A_123 : vector<1x1024xi32>
      %add3A_125 = arith.addi %mul3A_124, %broadcast_in_dim3A_121 : vector<1x1024xi32>
      %mul3A_126 = arith.constant 2048 : i32
      %mul3A_127 = arith.muli %arg0, %mul3A_126 : i32
      %add3A_128 = vector.broadcast %mul3A_127 : i32 to vector<1x1024xi32>
      %add3A_129 = arith.addi %add3A_125, %add3A_128 : vector<1x1024xi32>
      %eq3A_130 = vector.broadcast %while3A_105 : vector<1x1024xi32> to vector<16x1024xi32>
      %eq3A_131 = arith.cmpi eq, %while3A_100, %eq3A_130 : vector<16x1024xi32>
      %jit3A_132 = arith.constant -1 : i32
      %broadcast_in_dim3A_133 = vector.broadcast %jit3A_132 : i32 to vector<16x1024xi32>
      %select_n3A_134 = arith.select %eq3A_131, %while3A_101, %broadcast_in_dim3A_133 : vector<16x1024xi1>, vector<16x1024xi32>
      %reduce_max3A_135 = arith.constant dense<-2147483648> : vector<1024xi32>
      %reduce_max3A_136 = vector.multi_reduction <maxsi>, %select_n3A_134, %reduce_max3A_135 [0] : vector<16x1024xi32> to vector<1024xi32>
      %broadcast_in_dim3A_137 = vector.shape_cast %reduce_max3A_136 : vector<1024xi32> to vector<1x1024xi32>
      %eq3A_138 = vector.broadcast %broadcast_in_dim3A_137 : vector<1x1024xi32> to vector<16x1024xi32>
      %eq3A_139 = arith.cmpi eq, %while3A_101, %eq3A_138 : vector<16x1024xi32>
      %and3A_140 = arith.andi %eq3A_131, %eq3A_139 : vector<16x1024xi1>
      %lt3A_141 = arith.cmpi slt, %while3A_104, %while3A_105 : vector<1x1024xi32>
      %and3A_142 = vector.broadcast %lt3A_141 : vector<1x1024xi1> to vector<16x1024xi1>
      %and3A_143 = arith.andi %and3A_140, %and3A_142 : vector<16x1024xi1>
      %broadcast_in_dim3A_144 = vector.shape_cast %while3A_104 : vector<1x1024xi32> to vector<1x1024xi32>
      %broadcast_in_dim3A_145 = vector.broadcast %broadcast_in_dim3A_144 : vector<1x1024xi32> to vector<16x1024xi32>
      %select_n3A_146 = arith.select %and3A_143, %broadcast_in_dim3A_145, %while3A_100 : vector<16x1024xi1>, vector<16x1024xi32>
      %broadcast_in_dim3A_147 = vector.shape_cast %add3A_129 : vector<1x1024xi32> to vector<1x1024xi32>
      %broadcast_in_dim3A_148 = vector.broadcast %broadcast_in_dim3A_147 : vector<1x1024xi32> to vector<16x1024xi32>
      %select_n3A_149 = arith.select %and3A_143, %broadcast_in_dim3A_148, %while3A_101 : vector<16x1024xi1>, vector<16x1024xi32>
      %reduce_max3A_150 = arith.constant dense<-2147483648> : vector<1024xi32>
      %reduce_max3A_151 = vector.multi_reduction <maxsi>, %select_n3A_146, %reduce_max3A_150 [0] : vector<16x1024xi32> to vector<1024xi32>
      %broadcast_in_dim3A_152 = vector.shape_cast %reduce_max3A_151 : vector<1024xi32> to vector<1x1024xi32>
      %select_n3A_153 = arith.select %eq3A_116, %while3A_99, %while3A_97 : vector<16x1024xi1>, vector<16x1024xi32>
      %select_n3A_154 = arith.select %eq3A_116, %cond3A_60#1, %while3A_98 : vector<16x1024xi1>, vector<16x1024xi32>
      %broadcast_in_dim3A_155 = vector.broadcast %while3A : i32 to vector<16x1024xi32>
      %select_n3A_156 = arith.select %eq3A_116, %broadcast_in_dim3A_155, %while3A_99 : vector<16x1024xi1>, vector<16x1024xi32>
      %broadcast_in_dim3A_157 = vector.shape_cast %while3A_104 : vector<1x1024xi32> to vector<1x1024xi32>
      %broadcast_in_dim3A_158 = vector.broadcast %broadcast_in_dim3A_157 : vector<1x1024xi32> to vector<16x1024xi32>
      %select_n3A_159 = arith.select %eq3A_116, %broadcast_in_dim3A_158, %while3A_102 : vector<16x1024xi1>, vector<16x1024xi32>
      %broadcast_in_dim3A_160 = vector.shape_cast %broadcast_in_dim3A_121 : vector<1x1024xi32> to vector<1x1024xi32>
      %broadcast_in_dim3A_161 = vector.broadcast %broadcast_in_dim3A_160 : vector<1x1024xi32> to vector<16x1024xi32>
      %select_n3A_162 = arith.select %eq3A_116, %broadcast_in_dim3A_161, %while3A_103 : vector<16x1024xi1>, vector<16x1024xi32>
      %reduce_min3A_163 = arith.constant dense<2147483647> : vector<1024xi32>
      %reduce_min3A_164 = vector.multi_reduction <minsi>, %select_n3A_153, %reduce_min3A_163 [0] : vector<16x1024xi32> to vector<1024xi32>
      %broadcast_in_dim3A_165 = vector.shape_cast %reduce_min3A_164 : vector<1024xi32> to vector<1x1024xi32>
      %add3A_166 = arith.constant 1 : i32
      %add3A_167 = arith.addi %while3A_106, %add3A_166 : i32
      %eq3A_168 = vector.broadcast %broadcast_in_dim3A_165 : vector<1x1024xi32> to vector<16x1024xi32>
      %eq3A_169 = arith.cmpi eq, %select_n3A_153, %eq3A_168 : vector<16x1024xi32>
      %jit3A_170 = arith.constant 16 : i32
      %broadcast_in_dim3A_171 = vector.broadcast %jit3A_170 : i32 to vector<16x1024xi32>
      %select_n3A_172 = arith.select %eq3A_169, %iota3A_23, %broadcast_in_dim3A_171 : vector<16x1024xi1>, vector<16x1024xi32>
      %reduce_min3A_173 = arith.constant dense<2147483647> : vector<1024xi32>
      %reduce_min3A_174 = vector.multi_reduction <minsi>, %select_n3A_172, %reduce_min3A_173 [0] : vector<16x1024xi32> to vector<1024xi32>
      %broadcast_in_dim3A_175 = vector.shape_cast %reduce_min3A_174 : vector<1024xi32> to vector<1x1024xi32>
      %eq3A_176 = vector.broadcast %broadcast_in_dim3A_175 : vector<1x1024xi32> to vector<16x1024xi32>
      %eq3A_177 = arith.cmpi eq, %iota3A_23, %eq3A_176 : vector<16x1024xi32>
      %jit3A_178 = arith.constant 0 : i32
      %broadcast_in_dim3A_179 = vector.broadcast %jit3A_178 : i32 to vector<16x1024xi32>
      %select_n3A_180 = arith.select %eq3A_177, %select_n3A_154, %broadcast_in_dim3A_179 : vector<16x1024xi1>, vector<16x1024xi32>
      %reduce_sum3A_181 = arith.constant dense<0> : vector<1024xi32>
      %reduce_sum3A_182 = vector.multi_reduction <add>, %select_n3A_180, %reduce_sum3A_181 [0] : vector<16x1024xi32> to vector<1024xi32>
      %broadcast_in_dim3A_183 = vector.shape_cast %reduce_sum3A_182 : vector<1024xi32> to vector<1x1024xi32>
      %mul3A_184 = arith.constant 128 : i32
      %mul3A_185 = vector.broadcast %mul3A_184 : i32 to vector<1x1024xi32>
      %mul3A_186 = arith.muli %broadcast_in_dim3A_175, %mul3A_185 : vector<1x1024xi32>
      %add3A_187 = arith.addi %mul3A_186, %broadcast_in_dim3A_183 : vector<1x1024xi32>
      %mul3A_188 = arith.constant 2048 : i32
      %mul3A_189 = arith.muli %arg0, %mul3A_188 : i32
      %add3A_190 = vector.broadcast %mul3A_189 : i32 to vector<1x1024xi32>
      %add3A_191 = arith.addi %add3A_187, %add3A_190 : vector<1x1024xi32>
      %eq3A_192 = vector.broadcast %broadcast_in_dim3A_152 : vector<1x1024xi32> to vector<16x1024xi32>
      %eq3A_193 = arith.cmpi eq, %select_n3A_146, %eq3A_192 : vector<16x1024xi32>
      %jit3A_194 = arith.constant -1 : i32
      %broadcast_in_dim3A_195 = vector.broadcast %jit3A_194 : i32 to vector<16x1024xi32>
      %select_n3A_196 = arith.select %eq3A_193, %select_n3A_149, %broadcast_in_dim3A_195 : vector<16x1024xi1>, vector<16x1024xi32>
      %reduce_max3A_197 = arith.constant dense<-2147483648> : vector<1024xi32>
      %reduce_max3A_198 = vector.multi_reduction <maxsi>, %select_n3A_196, %reduce_max3A_197 [0] : vector<16x1024xi32> to vector<1024xi32>
      %broadcast_in_dim3A_199 = vector.shape_cast %reduce_max3A_198 : vector<1024xi32> to vector<1x1024xi32>
      %eq3A_200 = vector.broadcast %broadcast_in_dim3A_199 : vector<1x1024xi32> to vector<16x1024xi32>
      %eq3A_201 = arith.cmpi eq, %select_n3A_149, %eq3A_200 : vector<16x1024xi32>
      %and3A_202 = arith.andi %eq3A_193, %eq3A_201 : vector<16x1024xi1>
      %lt3A_203 = arith.cmpi slt, %broadcast_in_dim3A_165, %broadcast_in_dim3A_152 : vector<1x1024xi32>
      %and3A_204 = vector.broadcast %lt3A_203 : vector<1x1024xi1> to vector<16x1024xi1>
      %and3A_205 = arith.andi %and3A_202, %and3A_204 : vector<16x1024xi1>
      %broadcast_in_dim3A_206 = vector.shape_cast %broadcast_in_dim3A_165 : vector<1x1024xi32> to vector<1x1024xi32>
      %broadcast_in_dim3A_207 = vector.broadcast %broadcast_in_dim3A_206 : vector<1x1024xi32> to vector<16x1024xi32>
      %select_n3A_208 = arith.select %and3A_205, %broadcast_in_dim3A_207, %select_n3A_146 : vector<16x1024xi1>, vector<16x1024xi32>
      %broadcast_in_dim3A_209 = vector.shape_cast %add3A_191 : vector<1x1024xi32> to vector<1x1024xi32>
      %broadcast_in_dim3A_210 = vector.broadcast %broadcast_in_dim3A_209 : vector<1x1024xi32> to vector<16x1024xi32>
      %select_n3A_211 = arith.select %and3A_205, %broadcast_in_dim3A_210, %select_n3A_149 : vector<16x1024xi1>, vector<16x1024xi32>
      %reduce_max3A_212 = arith.constant dense<-2147483648> : vector<1024xi32>
      %reduce_max3A_213 = vector.multi_reduction <maxsi>, %select_n3A_208, %reduce_max3A_212 [0] : vector<16x1024xi32> to vector<1024xi32>
      %broadcast_in_dim3A_214 = vector.shape_cast %reduce_max3A_213 : vector<1024xi32> to vector<1x1024xi32>
      %select_n3A_215 = arith.select %eq3A_177, %select_n3A_156, %select_n3A_153 : vector<16x1024xi1>, vector<16x1024xi32>
      %select_n3A_216 = arith.select %eq3A_177, %cond3A_60#1, %select_n3A_154 : vector<16x1024xi1>, vector<16x1024xi32>
      %broadcast_in_dim3A_217 = vector.broadcast %while3A : i32 to vector<16x1024xi32>
      %select_n3A_218 = arith.select %eq3A_177, %broadcast_in_dim3A_217, %select_n3A_156 : vector<16x1024xi1>, vector<16x1024xi32>
      %broadcast_in_dim3A_219 = vector.shape_cast %broadcast_in_dim3A_165 : vector<1x1024xi32> to vector<1x1024xi32>
      %broadcast_in_dim3A_220 = vector.broadcast %broadcast_in_dim3A_219 : vector<1x1024xi32> to vector<16x1024xi32>
      %select_n3A_221 = arith.select %eq3A_177, %broadcast_in_dim3A_220, %select_n3A_159 : vector<16x1024xi1>, vector<16x1024xi32>
      %broadcast_in_dim3A_222 = vector.shape_cast %broadcast_in_dim3A_183 : vector<1x1024xi32> to vector<1x1024xi32>
      %broadcast_in_dim3A_223 = vector.broadcast %broadcast_in_dim3A_222 : vector<1x1024xi32> to vector<16x1024xi32>
      %select_n3A_224 = arith.select %eq3A_177, %broadcast_in_dim3A_223, %select_n3A_162 : vector<16x1024xi1>, vector<16x1024xi32>
      %reduce_min3A_225 = arith.constant dense<2147483647> : vector<1024xi32>
      %reduce_min3A_226 = vector.multi_reduction <minsi>, %select_n3A_215, %reduce_min3A_225 [0] : vector<16x1024xi32> to vector<1024xi32>
      %broadcast_in_dim3A_227 = vector.shape_cast %reduce_min3A_226 : vector<1024xi32> to vector<1x1024xi32>
      %add3A_228 = arith.constant 1 : i32
      %add3A_229 = arith.addi %add3A_167, %add3A_228 : i32
      scf.yield %select_n3A_215, %select_n3A_216, %select_n3A_218, %select_n3A_208, %select_n3A_211, %select_n3A_221, %select_n3A_224, %broadcast_in_dim3A_227, %broadcast_in_dim3A_214, %add3A_229 : vector<16x1024xi32>, vector<16x1024xi32>, vector<16x1024xi32>, vector<16x1024xi32>, vector<16x1024xi32>, vector<16x1024xi32>, vector<16x1024xi32>, vector<1x1024xi32>, vector<1x1024xi32>, i32
    }
    %eq3A_66 = arith.constant 2147483647 : i32
    %eq3A_67 = vector.broadcast %eq3A_66 : i32 to vector<16x1024xi32>
    %eq3A_68 = arith.cmpi eq, %while3A_65#0, %eq3A_67 : vector<16x1024xi32>
    %broadcast_in_dim3A_69 = vector.shape_cast %while3A_65#8 : vector<1x1024xi32> to vector<1x1024xi32>
    %broadcast_in_dim3A_70 = vector.broadcast %broadcast_in_dim3A_69 : vector<1x1024xi32> to vector<16x1024xi32>
    %lt3A_71 = arith.cmpi slt, %while3A_65#5, %broadcast_in_dim3A_70 : vector<16x1024xi32>
    %and3A = arith.andi %eq3A_68, %lt3A_71 : vector<16x1024xi1>
    %reduce_or3A_72 = arith.constant 1.000000e+00 : f32
    %reduce_or3A_73 = arith.constant 0.000000e+00 : f32
    %reduce_or3A_74 = vector.broadcast %reduce_or3A_72 : f32 to vector<16x1024xf32>
    %reduce_or3A_75 = vector.broadcast %reduce_or3A_73 : f32 to vector<16x1024xf32>
    %reduce_or3A_76 = arith.select %and3A, %reduce_or3A_74, %reduce_or3A_75 : vector<16x1024xi1>, vector<16x1024xf32>
    %reduce_or3A_77 = vector.shape_cast %reduce_or3A_76 : vector<16x1024xf32> to vector<1x16x1024xf32>
    %reduce_or3A_78 = arith.constant dense<0xFF800000> : vector<1xf32>
    %reduce_or3A_79 = vector.multi_reduction <maximumf>, %reduce_or3A_77, %reduce_or3A_78 [1, 2] : vector<1x16x1024xf32> to vector<1xf32>
    %reduce_or3A_80 = vector.shape_cast %reduce_or3A_79 : vector<1xf32> to vector<1x1x1xf32>
    %reduce_or3A_81 = vector.extract %reduce_or3A_80[0, 0, 0] : f32 from vector<1x1x1xf32>
    %reduce_or3A_82 = arith.constant 0.000000e+00 : f32
    %reduce_or3A_83 = arith.cmpf ogt, %reduce_or3A_81, %reduce_or3A_82 : f32
    %while3A_84 = arith.constant 2147483647 : i32
    %while3A_85 = arith.constant 0 : i32
    %while3A_86:7 = scf.while (%while3A_97 = %while3A_65#3, %while3A_98 = %while3A_65#4, %while3A_99 = %while3A_65#5, %while3A_100 = %while3A_65#6, %while3A_101 = %while3A_65#8, %while3A_102 = %reduce_or3A_83, %while3A_103 = %while3A_85) : (vector<16x1024xi32>, vector<16x1024xi32>, vector<16x1024xi32>, vector<16x1024xi32>, vector<1x1024xi32>, i1, i32) -> (vector<16x1024xi32>, vector<16x1024xi32>, vector<16x1024xi32>, vector<16x1024xi32>, vector<1x1024xi32>, i1, i32) {
      %lt3A_104 = arith.constant 32 : i32
      %lt3A_105 = arith.cmpi slt, %while3A_103, %lt3A_104 : i32
      %and3A_106 = arith.andi %while3A_102, %lt3A_105 : i1
      scf.condition(%and3A_106) %while3A_97, %while3A_98, %while3A_99, %while3A_100, %while3A_101, %while3A_102, %while3A_103 : vector<16x1024xi32>, vector<16x1024xi32>, vector<16x1024xi32>, vector<16x1024xi32>, vector<1x1024xi32>, i1, i32
    } do {
    ^bb0(%while3A_97: vector<16x1024xi32>, %while3A_98: vector<16x1024xi32>, %while3A_99: vector<16x1024xi32>, %while3A_100: vector<16x1024xi32>, %while3A_101: vector<1x1024xi32>, %while3A_102: i1, %while3A_103: i32):
      %broadcast_in_dim3A_104 = vector.shape_cast %while3A_99 : vector<16x1024xi32> to vector<16x1x1024xi32>
      %gt3A = vector.broadcast %broadcast_in_dim3A_104 : vector<16x1x1024xi32> to vector<16x128x1024xi32>
      %gt3A_105 = arith.cmpi sgt, %reshape3A_22, %gt3A : vector<16x128x1024xi32>
      %broadcast_in_dim3A_106 = vector.shape_cast %while3A_99 : vector<16x1024xi32> to vector<16x1x1024xi32>
      %eq3A_107 = vector.broadcast %broadcast_in_dim3A_106 : vector<16x1x1024xi32> to vector<16x128x1024xi32>
      %eq3A_108 = arith.cmpi eq, %reshape3A_22, %eq3A_107 : vector<16x128x1024xi32>
      %broadcast_in_dim3A_109 = vector.shape_cast %while3A_100 : vector<16x1024xi32> to vector<16x1x1024xi32>
      %gt3A_110 = vector.broadcast %broadcast_in_dim3A_109 : vector<16x1x1024xi32> to vector<16x128x1024xi32>
      %gt3A_111 = arith.cmpi sgt, %iota3A, %gt3A_110 : vector<16x128x1024xi32>
      %and3A_112 = arith.andi %eq3A_108, %gt3A_111 : vector<16x128x1024xi1>
      %or3A = arith.ori %gt3A_105, %and3A_112 : vector<16x128x1024xi1>
      %broadcast_in_dim3A_113 = vector.broadcast %while3A_84 : i32 to vector<16x128x1024xi32>
      %select_n3A_114 = arith.select %or3A, %reshape3A_22, %broadcast_in_dim3A_113 : vector<16x128x1024xi1>, vector<16x128x1024xi32>
      %reduce_min3A_115 = arith.constant dense<2147483647> : vector<16x1024xi32>
      %reduce_min3A_116 = vector.multi_reduction <minsi>, %select_n3A_114, %reduce_min3A_115 [1] : vector<16x128x1024xi32> to vector<16x1024xi32>
      %broadcast_in_dim3A_117 = vector.shape_cast %reduce_min3A_116 : vector<16x1024xi32> to vector<16x1x1024xi32>
      %eq3A_118 = vector.broadcast %broadcast_in_dim3A_117 : vector<16x1x1024xi32> to vector<16x128x1024xi32>
      %eq3A_119 = arith.cmpi eq, %select_n3A_114, %eq3A_118 : vector<16x128x1024xi32>
      %jit3A_120 = arith.constant 128 : i32
      %broadcast_in_dim3A_121 = vector.broadcast %jit3A_120 : i32 to vector<16x128x1024xi32>
      %select_n3A_122 = arith.select %eq3A_119, %iota3A, %broadcast_in_dim3A_121 : vector<16x128x1024xi1>, vector<16x128x1024xi32>
      %reduce_min3A_123 = arith.constant dense<2147483647> : vector<16x1024xi32>
      %reduce_min3A_124 = vector.multi_reduction <minsi>, %select_n3A_122, %reduce_min3A_123 [1] : vector<16x128x1024xi32> to vector<16x1024xi32>
      %reduce_min3A_125 = arith.constant dense<2147483647> : vector<1024xi32>
      %reduce_min3A_126 = vector.multi_reduction <minsi>, %reduce_min3A_116, %reduce_min3A_125 [0] : vector<16x1024xi32> to vector<1024xi32>
      %broadcast_in_dim3A_127 = vector.shape_cast %reduce_min3A_126 : vector<1024xi32> to vector<1x1024xi32>
      %while3A_128 = arith.constant 0 : i32
      %while3A_129:8 = scf.while (%while3A_134 = %reduce_min3A_116, %while3A_135 = %while3A_97, %while3A_136 = %while3A_98, %while3A_137 = %while3A_99, %while3A_138 = %while3A_100, %while3A_139 = %broadcast_in_dim3A_127, %while3A_140 = %while3A_101, %while3A_141 = %while3A_128) : (vector<16x1024xi32>, vector<16x1024xi32>, vector<16x1024xi32>, vector<16x1024xi32>, vector<16x1024xi32>, vector<1x1024xi32>, vector<1x1024xi32>, i32) -> (vector<16x1024xi32>, vector<16x1024xi32>, vector<16x1024xi32>, vector<16x1024xi32>, vector<16x1024xi32>, vector<1x1024xi32>, vector<1x1024xi32>, i32) {
        %lt3A_142 = arith.constant 16 : i32
        %lt3A_143 = arith.cmpi slt, %while3A_141, %lt3A_142 : i32
        %lt3A_144 = arith.cmpi slt, %while3A_139, %while3A_140 : vector<1x1024xi32>
        %reduce_or3A_145 = arith.constant 1.000000e+00 : f32
        %reduce_or3A_146 = arith.constant 0.000000e+00 : f32
        %reduce_or3A_147 = vector.broadcast %reduce_or3A_145 : f32 to vector<1x1024xf32>
        %reduce_or3A_148 = vector.broadcast %reduce_or3A_146 : f32 to vector<1x1024xf32>
        %reduce_or3A_149 = arith.select %lt3A_144, %reduce_or3A_147, %reduce_or3A_148 : vector<1x1024xi1>, vector<1x1024xf32>
        %reduce_or3A_150 = vector.shape_cast %reduce_or3A_149 : vector<1x1024xf32> to vector<1x1x1024xf32>
        %reduce_or3A_151 = arith.constant dense<0xFF800000> : vector<1xf32>
        %reduce_or3A_152 = vector.multi_reduction <maximumf>, %reduce_or3A_150, %reduce_or3A_151 [1, 2] : vector<1x1x1024xf32> to vector<1xf32>
        %reduce_or3A_153 = vector.shape_cast %reduce_or3A_152 : vector<1xf32> to vector<1x1x1xf32>
        %reduce_or3A_154 = vector.extract %reduce_or3A_153[0, 0, 0] : f32 from vector<1x1x1xf32>
        %reduce_or3A_155 = arith.constant 0.000000e+00 : f32
        %reduce_or3A_156 = arith.cmpf ogt, %reduce_or3A_154, %reduce_or3A_155 : f32
        %and3A_157 = arith.andi %lt3A_143, %reduce_or3A_156 : i1
        scf.condition(%and3A_157) %while3A_134, %while3A_135, %while3A_136, %while3A_137, %while3A_138, %while3A_139, %while3A_140, %while3A_141 : vector<16x1024xi32>, vector<16x1024xi32>, vector<16x1024xi32>, vector<16x1024xi32>, vector<16x1024xi32>, vector<1x1024xi32>, vector<1x1024xi32>, i32
      } do {
      ^bb0(%while3A_134: vector<16x1024xi32>, %while3A_135: vector<16x1024xi32>, %while3A_136: vector<16x1024xi32>, %while3A_137: vector<16x1024xi32>, %while3A_138: vector<16x1024xi32>, %while3A_139: vector<1x1024xi32>, %while3A_140: vector<1x1024xi32>, %while3A_141: i32):
        %eq3A_142 = vector.broadcast %while3A_139 : vector<1x1024xi32> to vector<16x1024xi32>
        %eq3A_143 = arith.cmpi eq, %while3A_134, %eq3A_142 : vector<16x1024xi32>
        %jit3A_144 = arith.constant 16 : i32
        %broadcast_in_dim3A_145 = vector.broadcast %jit3A_144 : i32 to vector<16x1024xi32>
        %select_n3A_146 = arith.select %eq3A_143, %iota3A_23, %broadcast_in_dim3A_145 : vector<16x1024xi1>, vector<16x1024xi32>
        %reduce_min3A_147 = arith.constant dense<2147483647> : vector<1024xi32>
        %reduce_min3A_148 = vector.multi_reduction <minsi>, %select_n3A_146, %reduce_min3A_147 [0] : vector<16x1024xi32> to vector<1024xi32>
        %broadcast_in_dim3A_149 = vector.shape_cast %reduce_min3A_148 : vector<1024xi32> to vector<1x1024xi32>
        %eq3A_150 = vector.broadcast %broadcast_in_dim3A_149 : vector<1x1024xi32> to vector<16x1024xi32>
        %eq3A_151 = arith.cmpi eq, %iota3A_23, %eq3A_150 : vector<16x1024xi32>
        %jit3A_152 = arith.constant 0 : i32
        %broadcast_in_dim3A_153 = vector.broadcast %jit3A_152 : i32 to vector<16x1024xi32>
        %select_n3A_154 = arith.select %eq3A_151, %reduce_min3A_124, %broadcast_in_dim3A_153 : vector<16x1024xi1>, vector<16x1024xi32>
        %reduce_sum3A = arith.constant dense<0> : vector<1024xi32>
        %reduce_sum3A_155 = vector.multi_reduction <add>, %select_n3A_154, %reduce_sum3A [0] : vector<16x1024xi32> to vector<1024xi32>
        %broadcast_in_dim3A_156 = vector.shape_cast %reduce_sum3A_155 : vector<1024xi32> to vector<1x1024xi32>
        %mul3A_157 = arith.constant 128 : i32
        %mul3A_158 = vector.broadcast %mul3A_157 : i32 to vector<1x1024xi32>
        %mul3A_159 = arith.muli %broadcast_in_dim3A_149, %mul3A_158 : vector<1x1024xi32>
        %add3A_160 = arith.addi %mul3A_159, %broadcast_in_dim3A_156 : vector<1x1024xi32>
        %mul3A_161 = arith.constant 2048 : i32
        %mul3A_162 = arith.muli %arg0, %mul3A_161 : i32
        %add3A_163 = vector.broadcast %mul3A_162 : i32 to vector<1x1024xi32>
        %add3A_164 = arith.addi %add3A_160, %add3A_163 : vector<1x1024xi32>
        %eq3A_165 = vector.broadcast %while3A_140 : vector<1x1024xi32> to vector<16x1024xi32>
        %eq3A_166 = arith.cmpi eq, %while3A_135, %eq3A_165 : vector<16x1024xi32>
        %jit3A_167 = arith.constant -1 : i32
        %broadcast_in_dim3A_168 = vector.broadcast %jit3A_167 : i32 to vector<16x1024xi32>
        %select_n3A_169 = arith.select %eq3A_166, %while3A_136, %broadcast_in_dim3A_168 : vector<16x1024xi1>, vector<16x1024xi32>
        %reduce_max3A_170 = arith.constant dense<-2147483648> : vector<1024xi32>
        %reduce_max3A_171 = vector.multi_reduction <maxsi>, %select_n3A_169, %reduce_max3A_170 [0] : vector<16x1024xi32> to vector<1024xi32>
        %broadcast_in_dim3A_172 = vector.shape_cast %reduce_max3A_171 : vector<1024xi32> to vector<1x1024xi32>
        %eq3A_173 = vector.broadcast %broadcast_in_dim3A_172 : vector<1x1024xi32> to vector<16x1024xi32>
        %eq3A_174 = arith.cmpi eq, %while3A_136, %eq3A_173 : vector<16x1024xi32>
        %and3A_175 = arith.andi %eq3A_166, %eq3A_174 : vector<16x1024xi1>
        %lt3A_176 = arith.cmpi slt, %while3A_139, %while3A_140 : vector<1x1024xi32>
        %and3A_177 = vector.broadcast %lt3A_176 : vector<1x1024xi1> to vector<16x1024xi1>
        %and3A_178 = arith.andi %and3A_175, %and3A_177 : vector<16x1024xi1>
        %broadcast_in_dim3A_179 = vector.shape_cast %while3A_139 : vector<1x1024xi32> to vector<1x1024xi32>
        %broadcast_in_dim3A_180 = vector.broadcast %broadcast_in_dim3A_179 : vector<1x1024xi32> to vector<16x1024xi32>
        %select_n3A_181 = arith.select %and3A_178, %broadcast_in_dim3A_180, %while3A_135 : vector<16x1024xi1>, vector<16x1024xi32>
        %broadcast_in_dim3A_182 = vector.shape_cast %add3A_164 : vector<1x1024xi32> to vector<1x1024xi32>
        %broadcast_in_dim3A_183 = vector.broadcast %broadcast_in_dim3A_182 : vector<1x1024xi32> to vector<16x1024xi32>
        %select_n3A_184 = arith.select %and3A_178, %broadcast_in_dim3A_183, %while3A_136 : vector<16x1024xi1>, vector<16x1024xi32>
        %reduce_max3A_185 = arith.constant dense<-2147483648> : vector<1024xi32>
        %reduce_max3A_186 = vector.multi_reduction <maxsi>, %select_n3A_181, %reduce_max3A_185 [0] : vector<16x1024xi32> to vector<1024xi32>
        %broadcast_in_dim3A_187 = vector.shape_cast %reduce_max3A_186 : vector<1024xi32> to vector<1x1024xi32>
        %broadcast_in_dim3A_188 = vector.broadcast %while3A_84 : i32 to vector<16x1024xi32>
        %select_n3A_189 = arith.select %eq3A_151, %broadcast_in_dim3A_188, %while3A_134 : vector<16x1024xi1>, vector<16x1024xi32>
        %broadcast_in_dim3A_190 = vector.shape_cast %while3A_139 : vector<1x1024xi32> to vector<1x1024xi32>
        %broadcast_in_dim3A_191 = vector.broadcast %broadcast_in_dim3A_190 : vector<1x1024xi32> to vector<16x1024xi32>
        %select_n3A_192 = arith.select %eq3A_151, %broadcast_in_dim3A_191, %while3A_137 : vector<16x1024xi1>, vector<16x1024xi32>
        %broadcast_in_dim3A_193 = vector.shape_cast %broadcast_in_dim3A_156 : vector<1x1024xi32> to vector<1x1024xi32>
        %broadcast_in_dim3A_194 = vector.broadcast %broadcast_in_dim3A_193 : vector<1x1024xi32> to vector<16x1024xi32>
        %select_n3A_195 = arith.select %eq3A_151, %broadcast_in_dim3A_194, %while3A_138 : vector<16x1024xi1>, vector<16x1024xi32>
        %reduce_min3A_196 = arith.constant dense<2147483647> : vector<1024xi32>
        %reduce_min3A_197 = vector.multi_reduction <minsi>, %select_n3A_189, %reduce_min3A_196 [0] : vector<16x1024xi32> to vector<1024xi32>
        %broadcast_in_dim3A_198 = vector.shape_cast %reduce_min3A_197 : vector<1024xi32> to vector<1x1024xi32>
        %add3A_199 = arith.constant 1 : i32
        %add3A_200 = arith.addi %while3A_141, %add3A_199 : i32
        %eq3A_201 = vector.broadcast %broadcast_in_dim3A_198 : vector<1x1024xi32> to vector<16x1024xi32>
        %eq3A_202 = arith.cmpi eq, %select_n3A_189, %eq3A_201 : vector<16x1024xi32>
        %jit3A_203 = arith.constant 16 : i32
        %broadcast_in_dim3A_204 = vector.broadcast %jit3A_203 : i32 to vector<16x1024xi32>
        %select_n3A_205 = arith.select %eq3A_202, %iota3A_23, %broadcast_in_dim3A_204 : vector<16x1024xi1>, vector<16x1024xi32>
        %reduce_min3A_206 = arith.constant dense<2147483647> : vector<1024xi32>
        %reduce_min3A_207 = vector.multi_reduction <minsi>, %select_n3A_205, %reduce_min3A_206 [0] : vector<16x1024xi32> to vector<1024xi32>
        %broadcast_in_dim3A_208 = vector.shape_cast %reduce_min3A_207 : vector<1024xi32> to vector<1x1024xi32>
        %eq3A_209 = vector.broadcast %broadcast_in_dim3A_208 : vector<1x1024xi32> to vector<16x1024xi32>
        %eq3A_210 = arith.cmpi eq, %iota3A_23, %eq3A_209 : vector<16x1024xi32>
        %jit3A_211 = arith.constant 0 : i32
        %broadcast_in_dim3A_212 = vector.broadcast %jit3A_211 : i32 to vector<16x1024xi32>
        %select_n3A_213 = arith.select %eq3A_210, %reduce_min3A_124, %broadcast_in_dim3A_212 : vector<16x1024xi1>, vector<16x1024xi32>
        %reduce_sum3A_214 = arith.constant dense<0> : vector<1024xi32>
        %reduce_sum3A_215 = vector.multi_reduction <add>, %select_n3A_213, %reduce_sum3A_214 [0] : vector<16x1024xi32> to vector<1024xi32>
        %broadcast_in_dim3A_216 = vector.shape_cast %reduce_sum3A_215 : vector<1024xi32> to vector<1x1024xi32>
        %mul3A_217 = arith.constant 128 : i32
        %mul3A_218 = vector.broadcast %mul3A_217 : i32 to vector<1x1024xi32>
        %mul3A_219 = arith.muli %broadcast_in_dim3A_208, %mul3A_218 : vector<1x1024xi32>
        %add3A_220 = arith.addi %mul3A_219, %broadcast_in_dim3A_216 : vector<1x1024xi32>
        %mul3A_221 = arith.constant 2048 : i32
        %mul3A_222 = arith.muli %arg0, %mul3A_221 : i32
        %add3A_223 = vector.broadcast %mul3A_222 : i32 to vector<1x1024xi32>
        %add3A_224 = arith.addi %add3A_220, %add3A_223 : vector<1x1024xi32>
        %eq3A_225 = vector.broadcast %broadcast_in_dim3A_187 : vector<1x1024xi32> to vector<16x1024xi32>
        %eq3A_226 = arith.cmpi eq, %select_n3A_181, %eq3A_225 : vector<16x1024xi32>
        %jit3A_227 = arith.constant -1 : i32
        %broadcast_in_dim3A_228 = vector.broadcast %jit3A_227 : i32 to vector<16x1024xi32>
        %select_n3A_229 = arith.select %eq3A_226, %select_n3A_184, %broadcast_in_dim3A_228 : vector<16x1024xi1>, vector<16x1024xi32>
        %reduce_max3A_230 = arith.constant dense<-2147483648> : vector<1024xi32>
        %reduce_max3A_231 = vector.multi_reduction <maxsi>, %select_n3A_229, %reduce_max3A_230 [0] : vector<16x1024xi32> to vector<1024xi32>
        %broadcast_in_dim3A_232 = vector.shape_cast %reduce_max3A_231 : vector<1024xi32> to vector<1x1024xi32>
        %eq3A_233 = vector.broadcast %broadcast_in_dim3A_232 : vector<1x1024xi32> to vector<16x1024xi32>
        %eq3A_234 = arith.cmpi eq, %select_n3A_184, %eq3A_233 : vector<16x1024xi32>
        %and3A_235 = arith.andi %eq3A_226, %eq3A_234 : vector<16x1024xi1>
        %lt3A_236 = arith.cmpi slt, %broadcast_in_dim3A_198, %broadcast_in_dim3A_187 : vector<1x1024xi32>
        %and3A_237 = vector.broadcast %lt3A_236 : vector<1x1024xi1> to vector<16x1024xi1>
        %and3A_238 = arith.andi %and3A_235, %and3A_237 : vector<16x1024xi1>
        %broadcast_in_dim3A_239 = vector.shape_cast %broadcast_in_dim3A_198 : vector<1x1024xi32> to vector<1x1024xi32>
        %broadcast_in_dim3A_240 = vector.broadcast %broadcast_in_dim3A_239 : vector<1x1024xi32> to vector<16x1024xi32>
        %select_n3A_241 = arith.select %and3A_238, %broadcast_in_dim3A_240, %select_n3A_181 : vector<16x1024xi1>, vector<16x1024xi32>
        %broadcast_in_dim3A_242 = vector.shape_cast %add3A_224 : vector<1x1024xi32> to vector<1x1024xi32>
        %broadcast_in_dim3A_243 = vector.broadcast %broadcast_in_dim3A_242 : vector<1x1024xi32> to vector<16x1024xi32>
        %select_n3A_244 = arith.select %and3A_238, %broadcast_in_dim3A_243, %select_n3A_184 : vector<16x1024xi1>, vector<16x1024xi32>
        %reduce_max3A_245 = arith.constant dense<-2147483648> : vector<1024xi32>
        %reduce_max3A_246 = vector.multi_reduction <maxsi>, %select_n3A_241, %reduce_max3A_245 [0] : vector<16x1024xi32> to vector<1024xi32>
        %broadcast_in_dim3A_247 = vector.shape_cast %reduce_max3A_246 : vector<1024xi32> to vector<1x1024xi32>
        %broadcast_in_dim3A_248 = vector.broadcast %while3A_84 : i32 to vector<16x1024xi32>
        %select_n3A_249 = arith.select %eq3A_210, %broadcast_in_dim3A_248, %select_n3A_189 : vector<16x1024xi1>, vector<16x1024xi32>
        %broadcast_in_dim3A_250 = vector.shape_cast %broadcast_in_dim3A_198 : vector<1x1024xi32> to vector<1x1024xi32>
        %broadcast_in_dim3A_251 = vector.broadcast %broadcast_in_dim3A_250 : vector<1x1024xi32> to vector<16x1024xi32>
        %select_n3A_252 = arith.select %eq3A_210, %broadcast_in_dim3A_251, %select_n3A_192 : vector<16x1024xi1>, vector<16x1024xi32>
        %broadcast_in_dim3A_253 = vector.shape_cast %broadcast_in_dim3A_216 : vector<1x1024xi32> to vector<1x1024xi32>
        %broadcast_in_dim3A_254 = vector.broadcast %broadcast_in_dim3A_253 : vector<1x1024xi32> to vector<16x1024xi32>
        %select_n3A_255 = arith.select %eq3A_210, %broadcast_in_dim3A_254, %select_n3A_195 : vector<16x1024xi1>, vector<16x1024xi32>
        %reduce_min3A_256 = arith.constant dense<2147483647> : vector<1024xi32>
        %reduce_min3A_257 = vector.multi_reduction <minsi>, %select_n3A_249, %reduce_min3A_256 [0] : vector<16x1024xi32> to vector<1024xi32>
        %broadcast_in_dim3A_258 = vector.shape_cast %reduce_min3A_257 : vector<1024xi32> to vector<1x1024xi32>
        %add3A_259 = arith.constant 1 : i32
        %add3A_260 = arith.addi %add3A_200, %add3A_259 : i32
        scf.yield %select_n3A_249, %select_n3A_241, %select_n3A_244, %select_n3A_252, %select_n3A_255, %broadcast_in_dim3A_258, %broadcast_in_dim3A_247, %add3A_260 : vector<16x1024xi32>, vector<16x1024xi32>, vector<16x1024xi32>, vector<16x1024xi32>, vector<16x1024xi32>, vector<1x1024xi32>, vector<1x1024xi32>, i32
      }
      %gt3A_130 = arith.constant 0 : i32
      %gt3A_131 = arith.cmpi sgt, %while3A_129#7, %gt3A_130 : i32
      %add3A_132 = arith.constant 1 : i32
      %add3A_133 = arith.addi %while3A_103, %add3A_132 : i32
      scf.yield %while3A_129#1, %while3A_129#2, %while3A_129#3, %while3A_129#4, %while3A_129#6, %gt3A_131, %add3A_133 : vector<16x1024xi32>, vector<16x1024xi32>, vector<16x1024xi32>, vector<16x1024xi32>, vector<1x1024xi32>, i1, i32
    }
    %swap3A = arith.constant 0 : index
    %swap3A_87 = arith.constant 0 : index
    %swap3A_88 = vector.load %arg6[%swap3A, %swap3A_87] : memref<16x1024xi32, #tpu.memory_space<vmem>>, vector<16x1024xi32>
    tpu.vector_store %arg6[%swap3A, %swap3A_87], %while3A_86#0 {strides = array<i32>} : memref<16x1024xi32, #tpu.memory_space<vmem>>, vector<16x1024xi32>,
    %swap3A_89 = arith.constant 0 : index
    %swap3A_90 = arith.constant 0 : index
    %swap3A_91 = vector.load %arg7[%swap3A_89, %swap3A_90] : memref<16x1024xi32, #tpu.memory_space<vmem>>, vector<16x1024xi32>
    tpu.vector_store %arg7[%swap3A_89, %swap3A_90], %while3A_86#1 {strides = array<i32>} : memref<16x1024xi32, #tpu.memory_space<vmem>>, vector<16x1024xi32>,
    %eq3A_92 = arith.constant 48 : i32
    %eq3A_93 = arith.cmpi eq, %arg0, %eq3A_92 : i32
    %convert_element_type3A_94 = arith.extui %eq3A_93 : i1 to i32
    %cond3A_95 = arith.constant 0 : i32
    %cond3A_96 = arith.cmpi ne, %convert_element_type3A_94, %cond3A_95 : i32
    scf.if %cond3A_96 {
      %swap3A_97 = arith.constant 0 : index
      %swap3A_98 = arith.constant 0 : index
      %swap3A_99 = vector.load %arg5[%swap3A_97, %swap3A_98] : memref<16x1024xi32, #tpu.memory_space<vmem>>, vector<16x1024xi32>
      tpu.vector_store %arg5[%swap3A_97, %swap3A_98], %while3A_86#1 {strides = array<i32>} : memref<16x1024xi32, #tpu.memory_space<vmem>>, vector<16x1024xi32>,
    } else {
    }
    return
  }
  func.func @transform_0(%arg0: i32) -> (i32, i32) {
    %c0_i32 = arith.constant 0 : i32
    %c0_i32_0 = arith.constant 0 : i32
    return %arg0, %c0_i32 : i32, i32
  }
  func.func @transform_1(%arg0: i32) -> (i32, i32) {
    %c0_i32 = arith.constant 0 : i32
    %c0_i32_0 = arith.constant 0 : i32
    %c0_i32_1 = arith.constant 0 : i32
    return %c0_i32, %c0_i32_0 : i32, i32
  }
  func.func @transform_2(%arg0: i32) -> (i32, i32, i32) {
    %c0_i32 = arith.constant 0 : i32
    %c0_i32_0 = arith.constant 0 : i32
    %c0_i32_1 = arith.constant 0 : i32
    return %arg0, %c0_i32, %c0_i32_0 : i32, i32, i32
  }
  func.func @transform_3(%arg0: i32) -> (i32, i32) {
    %c0_i32 = arith.constant 0 : i32
    %c0_i32_0 = arith.constant 0 : i32
    %c0_i32_1 = arith.constant 0 : i32
    return %c0_i32, %c0_i32_0 : i32, i32
  }
  func.func @transform_4(%arg0: i32) -> (i32, i32) {
    %c0_i32 = arith.constant 0 : i32
    %c0_i32_0 = arith.constant 0 : i32
    %c0_i32_1 = arith.constant 0 : i32
    return %c0_i32, %c0_i32_0 : i32, i32
  }
}

</mosaic_0001>

<sc_bundles>
// kernel: kernel.4.cloned.1.call-start
scs
__scs_entry_jumppad:
0x0: {  	(pc) =	sbr.rel $0x88, $3  }
0x1: {  	(tag) =	ssettag $0x0;
	lr =	simm.s32 $0x1  }
0x2: {  	[smem:$0x3F9E] =	sst lr;
	_ =	strace $0xD0000000  }
0x3: {  	_ = 	snop  }
0x4: {  	_ = 	snop  }
0x5: {  	_ = 	snop  }
0x6: {  	_ = 	snop  }
0x7: {  	_ = 	snop  }
__scs_overlays_trampoline_lowered:
0x8: {  	[smem:$0x3FAD] =	sst s0  }
0x9: {  	[smem:$0x3FAE] =	sst s1  }
0xa: {  	[smem:$0x3FAF] =	sst s2  }
0xb: {  	[smem:$0x3FB0] =	sst s3  }
0xc: {  	[smem:$0x3FB1] =	sst s4  }
0xd: {  	[smem:$0x3FB2] =	sst s5  }
0xe: {  	[smem:$0x3FB3] =	sst s6  }
0xf: {  	[smem:$0x3FB4] =	sst s7  }
0x10: {  	[smem:$0x3FB5] =	sst s8  }
0x11: {  	[smem:$0x3FB6] =	sst s9;
	s0 =	simm.s32 @!p0 $0x0  }
0x12: {  	s1 =	sld [smem:$0x3F9C];
	s0 =	simm.s32 @p0 $0x1  }
0x13: {  	[smem:$0x3FB7] =	sst s0;
	s0 =	simm.s32 @!p1 $0x0  }
0x14: {  	s2 =	sld [smem:$0x3F9B];
	s0 =	simm.s32 @p1 $0x1  }
0x15: {  	[smem:$0x3FB8] =	sst s0;
	s0 =	simm.s32 @!p2 $0x0  }
0x16: {  	s3 =	sld [smem:$0x3FDB];
	s0 =	simm.s32 @p2 $0x1  }
0x17: {  	s4 =	simm.s32 $0x1BF5;
	[smem:$0x3FBA] =	sst s0  }
0x18: {  	s0 =	sld [smem:$0x3F9D];
	_ =	swait.ge [sflag:s4], $0x0  }
0x19: {  	s7 =	sld [smem:$0x3F9E]  }
0x1a: {  	s8 =	sadd.s32 $0xFFFFE003, lr  }
0x1b: {  	s9 =	sadd.s32 $0xFFFFFEF7, lr;
	s5 =	simm.s32 $0xFFFFFFFF;
	p2 =	slt.u32 s8, $0xFFFFF086  }
0x1c: {  	p1 =	slt.u32 s9, $0xF7A;
	s5 =	simm.s32 @!p2 $0x0  }
0x1d: {  	s5 =	simm.s32 @p1 $0x1;
	p0 =	seq.s32 s7, s2  }
0x1e: {  	s7 =	smul.u32 @!p0 $0xF7A, s2;
	p2 =	seq.s32 @!p0 s5, $0x0  }
0x1f: {  	s9 =	smul.u32 $0xF7A, s1;
	s8 =	simm.s32 @!p0 $0x1BF5;
	p2 =	por !p2, p0  }
0x20: {  	[sflag:s8] =	ssyncset.s32 @!p0 $0xFFFFF086;
	s6 =	sadd.s32 @!p0 s3, s7;
	s7 =	simm.s32 @!p0 $0x108  }
0x21: {  	s3 =	sadd.s32 s3, s9;
	s6 =	sadd.s32 @!p0 $0x88, s6;
	s7 =	simm.s32 @p2 $0x1082  }
0x22: {  	[simem:s7], [sflag:s8] =	dma.local @!p0 [hbm:s6], $0xF7A  }
0x23: {  	s9 =	sor.u32 $0xD0000000, s2;
	s6 =	simm.s32 $0x108;
	_ =	swait.ge @!p0 [sflag:s8], $0x0  }
0x24: {  	s3 =	sadd.s32 $0x88, s3;
	s6 =	simm.s32 @!p1 $0x1082;
	[sflag:s4] =	ssyncset.s32 $0xFFFFF086  }
0x25: {  	[simem:s6], [sflag:s4] =	dma.local [hbm:s3], $0xF7A  }
0x26: {  	[smem:$0x3F9E] =	sst s1;
	(tag) =	ssettag s2;
	_ =	strace s9  }
0x27: {  	s1 =	sld [smem:$0x3FAE]  }
0x28: {  	s2 =	sld [smem:$0x3FAF]  }
0x29: {  	s4 =	sld [smem:$0x3FB1]  }
0x2a: {  	p0 =	seq.s32 s5, $0x0;
	s5 =	sld [smem:$0x3FB2]  }
0x2b: {  	s6 =	sld [smem:$0x3FB3]  }
0x2c: {  	s7 =	sld [smem:$0x3FB4]  }
0x2d: {  	s3 =	simm.s32 $0x108;
	s8 =	sld [smem:$0x3FB5]  }
0x2e: {  	s3 =	simm.s32 @!p0 $0x1082;
	s9 =	sld [smem:$0x3FB6]  }
0x2f: {  	lr =	sadd.s32 s0, s3;
	s0 =	sld [smem:$0x3FAD]  }
0x30: {  	s3 =	sld [smem:$0x3FB0]  }
0x31: {  	[smem:$0x3FB9] =	sst s10  }
0x32: {  	s10 =	sld [smem:$0x3FB7];
	_ =	sdelay $0x3  }
0x33: {  	p0 =	seq.s32 s10, $0x1;
	s10 =	sld [smem:$0x3FB9];
	_ =	sdelay $0x3  }
0x34: {  	[smem:$0x3FB9] =	sst s10  }
0x35: {  	s10 =	sld [smem:$0x3FB8];
	_ =	sdelay $0x3  }
0x36: {  	p1 =	seq.s32 s10, $0x1;
	s10 =	sld [smem:$0x3FB9];
	_ =	sdelay $0x3  }
0x37: {  	[smem:$0x3FB9] =	sst s10  }
0x38: {  	s10 =	sld [smem:$0x3FBA]  }
0x39: {  	_ = 	snop;
	(pc) =	sbr.ind lr, $3  }
0x3a: {  	_ = 	snop  }
0x3b: {  	_ = 	snop  }
0x3c: {  	p2 =	seq.s32 s10, $0x1;
	s10 =	sld [smem:$0x3FB9]  }
0x3d: {  	_ =	shalt  }
0x3e: {  	_ =	shalt  }
0x3f: {  	_ =	shalt  }
0x40: {  	_ =	shalt  }
0x41: {  	_ =	shalt  }
0x42: {  	_ =	shalt  }
0x43: {  	_ =	shalt  }
0x44: {  	_ =	shalt  }
0x45: {  	_ =	shalt  }
0x46: {  	_ =	shalt  }
0x47: {  	_ =	shalt  }
0x48: {  	_ =	shalt  }
0x49: {  	_ =	shalt  }
0x4a: {  	_ =	shalt  }
0x4b: {  	_ =	shalt  }
0x4c: {  	_ =	shalt  }
0x4d: {  	_ =	shalt  }
0x4e: {  	_ =	shalt  }
0x4f: {  	_ =	shalt  }
0x50: {  	_ =	shalt  }
0x51: {  	_ =	shalt  }
0x52: {  	_ =	shalt  }
0x53: {  	_ =	shalt  }
0x54: {  	_ =	shalt  }
0x55: {  	_ =	shalt  }
0x56: {  	_ =	shalt  }
0x57: {  	_ =	shalt  }
0x58: {  	_ =	shalt  }
0x59: {  	_ =	shalt  }
0x5a: {  	_ =	shalt  }
0x5b: {  	_ =	shalt  }
0x5c: {  	_ =	shalt  }
0x5d: {  	_ =	shalt  }
0x5e: {  	_ =	shalt  }
0x5f: {  	_ =	shalt  }
0x60: {  	_ =	shalt  }
0x61: {  	_ =	shalt  }
0x62: {  	_ =	shalt  }
0x63: {  	_ =	shalt  }
0x64: {  	_ =	shalt  }
0x65: {  	_ =	shalt  }
0x66: {  	_ =	shalt  }
0x67: {  	_ =	shalt  }
0x68: {  	_ =	shalt  }
0x69: {  	_ =	shalt  }
0x6a: {  	_ =	shalt  }
0x6b: {  	_ =	shalt  }
0x6c: {  	_ =	shalt  }
0x6d: {  	_ =	shalt  }
0x6e: {  	_ =	shalt  }
0x6f: {  	_ =	shalt  }
0x70: {  	_ =	shalt  }
0x71: {  	_ =	shalt  }
0x72: {  	_ =	shalt  }
0x73: {  	_ =	shalt  }
0x74: {  	_ =	shalt  }
0x75: {  	_ =	shalt  }
0x76: {  	_ =	shalt  }
0x77: {  	_ =	shalt  }
0x78: {  	_ =	shalt  }
0x79: {  	_ =	shalt  }
0x7a: {  	_ =	shalt  }
0x7b: {  	_ =	shalt  }
0x7c: {  	_ =	shalt  }
0x7d: {  	_ =	shalt  }
0x7e: {  	_ =	shalt  }
0x7f: {  	_ =	shalt  }
0x80: {  	_ =	shalt  }
0x81: {  	_ =	shalt  }
0x82: {  	_ =	shalt  }
0x83: {  	_ =	shalt  }
0x84: {  	_ =	shalt  }
0x85: {  	_ =	shalt  }
0x86: {  	_ =	shalt  }
0x87: {  	_ =	shalt  }
.Lfunc_end0:
.L_simem_size_0:
called_computation_lowered:
.L_overlay_start_0:
0x88: {  	s2 =	sld [smem:$0x3FD9]  }
0x89: {  	s3 =	sld [smem:$0x3FFE];
	_ =	sdelay $0x1  }
0x8a: {  	s1 =	srdreg.scid  }
0x8b: {  	s0 =	sand.u32 $0x1, s1  }
0x8c: {  	s17 =	sshll.u32 s0, $0xA;
	s2 =	sadd.s32 s3, s2  }
0x8d: {  	s2 =	sadd.s32 s2, s17  }
0x8e: {  	[smem:$0x3FC5] =	sst s2  }
0x8f: {  	_ = 	snop  }
0x90: {  	s2 =	sld [smem:$0x3FD0];
	(tm) =	ssettm $0x1  }
0x91: {  	s18 =	sld [smem:$0x3FFB];
	_ =	sdelay $0x3  }
0x92: {  	_ =	strace s18  }
0x93: {  	s3 =	sld [smem:$0x3FFC];
	_ =	sdelay $0x3  }
0x94: {  	_ =	strace s3  }
0x95: {  	s3 =	sld [smem:$0x3FFD];
	_ =	sdelay $0x3  }
0x96: {  	_ =	strace s3  }
0x97: {  	_ =	strace $0x8FFFFFFF  }
0x98: {  	s19 =	sld [smem:$0x3FDB];
	_ =	sdelay $0x1  }
0x99: {  	s4 =	simm.s32 $_scs_section_size  }
0x9a: {  	s5 =	simm.s32 $_size__tile_overlayer_lowered;
	s6 =	simm.s32 $_tile_overlayer_lowered  }
0x9b: {  	s22 =	simm.s32 $0x1BFF;
	s21 =	sshll.u32 s6, $0x1;
	s3 =	sadd.s32 s4, s19  }
0x9c: {  	s7 =	simm.s32 $0x0;
	s20 =	sshll.u32 s5, $0x1;
	s5 =	sadd.s32 s21, s3  }
0x9d: {  	[timem:s7], [sflag:s22] =	dma.local [hbm:s5], s20  }
0x9e: {  	_ =	swait.ge [sflag:s22], s20  }
0x9f: {  	s4 =	ssub.s32 $0x0, s20;
	[sflag:s22] =	ssyncset.done $0x0  }
0xa0: {  	[sflag:s22] =	ssyncadd.s32 s4;
	_ =	sdelay $0x1  }
0xa1: {  	s23 =	simm.s32 $0x1B8B  }
0xa2: {  	_ =	swait.ge [sflag:s23], $0x1  }
0xa3: {  	[sflag:s23] =	ssyncset.done $0x0  }
0xa4: {  	s25 =	simm.s32 $0x1B8E;
	s24 =	sld [smem:$0x3FFE];
	[sflag:s23] =	ssyncadd.s32 $0xFFFFFFFF  }
0xa5: {  	s26 =	simm.s32 $execute0_lowered;
	[smem:$0x3FD2] =	sst s25  }
0xa6: {  	s5 =	sshll.u32 s26, $0x1;
	_ =	strace $0x80000046;
	[dreg:$0x1] =	wrdreg $0xFFFFFFFF  }
0xa7: {  	s28 =	simm.s32 $_size_execute0_lowered;
	s3 =	sadd.s32 s3, s5;
	[dreg:$0x0] =	wrdreg $0x0  }
0xa8: {  	s5 =	sshll.u32 s28, $0x1;
	[dreg:$0x2] =	wrdreg s3  }
0xa9: {  	[dreg:$0x3] =	wrdreg s5  }
0xaa: {  	[dreg:$0x4] =	wrdreg $0xC0  }
0xab: {  	_ =	task [dreg:s7], $0x5FFFF  }
0xac: {  	[dreg:$0x1] =	wrdreg $0xFFFFFFFF  }
0xad: {  	[dreg:$0x0] =	wrdreg $0x60  }
0xae: {  	[dreg:$0x2] =	wrdreg s24  }
0xaf: {  	[dreg:$0x3] =	wrdreg s2  }
0xb0: {  	[dreg:$0x4] =	wrdreg $0x9  }
0xb1: {  	_ =	task.clear_ibuf [dreg:s7], $0x5FFFF;
	_ =	strace $0x90000046  }
0xb2: {  	s29 =	simm.s32 $0x9;
	_ =	strace $0x80000048  }
0xb3: {  	_ =	swait.ge [sflag:s29], $0x1  }
0xb4: {  	[sflag:s29] =	ssyncadd.s32 $0xFFFFFFFF  }
0xb5: {  	_ =	strace $0x90000048  }
0xb6: {  	_ =	sfence  }
0xb7: {  	s30 =	sld [smem:$0x0];
	_ =	sdelay $0x2  }
0xb8: {  	s31 =	sshll.u32 s1, $0xD;
	s1 =	sshrl.u32 s1, $0x2  }
0xb9: {  	s3 =	sand.u32 $0x4000, s31;
	s1 =	sadd.s32 s1, s30  }
0xba: {  	s0 =	sor.u32 s3, s0;
	s1 =	sshll.u32 s1, $0x11  }
0xbb: {  	s0 =	sor.u32 s1, s0  }
0xbc: {  	s0 =	sadd.s32 $0x8F2B, s0  }
0xbd: {  	[sflag:s0] =	ssyncadd.remote.s32 $0x1  }
0xbe: {  	_ =	sfence.sel $0xFFFF  }
0xbf: {  	[dreg:$0x0] =	wrdreg $0xFFFFFFFF;
	(pc) =	sbr.abs _section_cstart, $3  }
0xc0: {  	[dreg:$0x1] =	wrdreg $0xFFFFFFFF  }
0xc1: {  	_ =	task.clear_ibuf [dreg:s7], $0x2FFFF;
	_ =	strace $0x9FFFFFFF  }
0xc2: {  	(tm) =	ssettm $0x7FFFFFFF  }
0xc3: {  	_ =	shalt  }
tec
execute0_lowered:
.L_overlay_start_1:
0x0: {  	(tag) =	ssettag $0x1  }
0x1: {  	s4 =	rddreg [dreg:$0x0]  }
0x2: {  	s5 =	rddreg [dreg:$0x1]  }
0x3: {  	s0 =	rddreg [dreg:$0x2];
	s3 =	srdreg.scid  }
0x4: {  	s2 =	simm.s32 $0x0;
	s1 =	stileid.u32;
	s9 =	simm.s32 $0x1  }
0x5: {  	s10 =	simm.s32 $0x2200;
	s11 =	simm.s32 $0x0;
	s3 =	sand.u32 $0x1, s3  }
0x6: {  	[smem:$0x7FF] =	sst s2;
	s6 =	sshll.u32 s1, $0x7;
	s7 =	sshll.u32 s3, $0x6  }
0x7: {  	_ =	strace $0x80000047;
	s30 =	ssub.s32 $0x2, s3;
	s6 =	sor.u32 s7, s6  }
0x8: {  	s3 =	sadd.s32 $0x187000, s4;
	s31 =	sshrl.u32 s30, $0x1;
	s8 =	sadd.s32 s6, s4  }
0x9: {  	s7 =	ssub.s32 s30, s31;
	s4 =	sadd.s32 s5, s6;
	s5 =	sadd.s32 $0x600, s8  }
0xa: {  	s6 =	smax.u32 s7, $0x1;
	s7 =	simm.s32 $0x2;
	s8 =	simm.s32 $0x200  }
.LBB2_1:
0xb: {  	[tilespmem:s2], [sflag:$0x2] =	stream.linear.gather [hbm4b:s4+s2], $0x200, $0x38;
	[tilespmem:$0x2400] =	vst v63  }
0xc: {  	_ =	swait.ge [sflag:s7], $0x200  }
0xd: {  	[sflag:s7] =	ssyncset.done $0x0  }
0xe: {  	[sflag:s7] =	ssyncadd.s32 $0xFFFFFE00  }
0xf: {  	[tilespmem:s8], [sflag:$0x1] =	stream.indirect.gather [hbm4b:s3+s8], $0x10, s2, s8, $0xb8;
	[tilespmem:$0x2400] =	vst v63  }
0x10: {  	_ =	swait.ge [sflag:s9], $0x2000  }
0x11: {  	[sflag:s9] =	ssyncset.done $0x0  }
0x12: {  	s13 =	simm.s32 $0x280;
	[sflag:s9] =	ssyncadd.s32 $0xFFFFE000  }
0x13: {  	v0 =	vld [tilespmem:s13+$0xFFFFFF90]  }
0x14: {  	s14 =	simm.s32 $0x40;
	s12 =	simm.s32 $0x0;
	v1 =	vld [tilespmem:s13+$0xFFFFFF80]  }
.LBB2_2:
0x15: {  	p0 =	sne.s32 s14, $0x7C0  }
0x16: {  	v2 =	vld [tilespmem:s13+$0xFFFFFFA0];
	_ =	sdelay $0x1  }
0x17: {  	v3 =	vld [tilespmem:s13+$0xFFFFFFB0]  }
0x18: {  	v0 =	vadd.f32 v0, v1  }
0x19: {  	v1 =	vld [tilespmem:s13+$0xFFFFFFC0]  }
0x1a: {  	v0 =	vadd.f32 v2, v0  }
0x1b: {  	v2 =	vld [tilespmem:s13+$0xFFFFFFD0]  }
0x1c: {  	v0 =	vadd.f32 v3, v0  }
0x1d: {  	v3 =	vld [tilespmem:s13+$0xFFFFFFE0]  }
0x1e: {  	v0 =	vadd.f32 v1, v0  }
0x1f: {  	v1 =	vld [tilespmem:s13+$0xFFFFFFF0]  }
0x20: {  	v0 =	vadd.f32 v2, v0  }
0x21: {  	v2 =	vld [tilespmem:s13+$0x0]  }
0x22: {  	v0 =	vadd.f32 v3, v0  }
0x23: {  	v3 =	vld [tilespmem:s13+$0x10]  }
0x24: {  	v0 =	vadd.f32 v1, v0  }
0x25: {  	v1 =	vld [tilespmem:s13+$0x20]  }
0x26: {  	v0 =	vadd.f32 v2, v0  }
0x27: {  	v2 =	vld [tilespmem:s13+$0x30]  }
0x28: {  	v0 =	vadd.f32 v3, v0  }
0x29: {  	v3 =	vld [tilespmem:s13+$0x40]  }
0x2a: {  	v0 =	vadd.f32 v1, v0  }
0x2b: {  	v1 =	vld [tilespmem:s13+$0x50]  }
0x2c: {  	v0 =	vadd.f32 v2, v0  }
0x2d: {  	v2 =	vld [tilespmem:s13+$0x60]  }
0x2e: {  	v0 =	vadd.f32 v3, v0  }
0x2f: {  	v3 =	vld [tilespmem:s13+$0x70]  }
0x30: {  	v0 =	vadd.f32 v1, v0;
	_ =	sdelay $0x1  }
0x31: {  	v0 =	vadd.f32 v2, v0;
	_ =	sdelay $0x1  }
0x32: {  	v0 =	vadd.f32 v3, v0;
	_ =	sdelay $0x1  }
.Ltmp0:
0x33: {  	v0 =	vmul.f32 $6.250000000e-02, v0;
	(pc) =	sbr.rel @p0 .LBB2_2-.Ltmp0, $4  }
0x34: {  	s15 =	sshra.s32 s12, $0x2;
	s12 =	smov.u32 s14  }
0x35: {  	s13 =	sadd.s32 $0x100, s13;
	[tilespmem:s15+$0x2200] =	vst v0  }
0x36: {  	v0 =	vld [tilespmem:s13+$0xFFFFFF90]  }
0x37: {  	s14 =	sadd.s32 $0x40, s14;
	v1 =	vld [tilespmem:s13+$0xFFFFFF80]  }
0x38: {  	_ = 	snop  }
0x39: {  	v2 =	vld [tilespmem:s13+$0xFFFFFFA0];
	_ =	sdelay $0x1  }
0x3a: {  	v3 =	vld [tilespmem:s13+$0xFFFFFFB0]  }
0x3b: {  	v0 =	vadd.f32 v0, v1  }
0x3c: {  	v52 =	vld [tilespmem:s13+$0xFFFFFFC0]  }
0x3d: {  	v0 =	vadd.f32 v2, v0  }
0x3e: {  	v53 =	vld [tilespmem:s13+$0xFFFFFFD0]  }
0x3f: {  	v0 =	vadd.f32 v3, v0  }
0x40: {  	v54 =	vld [tilespmem:s13+$0xFFFFFFE0]  }
0x41: {  	v0 =	vadd.f32 v52, v0  }
0x42: {  	v55 =	vld [tilespmem:s13+$0xFFFFFFF0]  }
0x43: {  	v0 =	vadd.f32 v53, v0  }
0x44: {  	v56 =	vld [tilespmem:s13+$0x0]  }
0x45: {  	v0 =	vadd.f32 v54, v0  }
0x46: {  	v57 =	vld [tilespmem:s13+$0x10]  }
0x47: {  	v0 =	vadd.f32 v55, v0  }
0x48: {  	v58 =	vld [tilespmem:s13+$0x20]  }
0x49: {  	v0 =	vadd.f32 v56, v0  }
0x4a: {  	v59 =	vld [tilespmem:s13+$0x30]  }
0x4b: {  	v0 =	vadd.f32 v57, v0  }
0x4c: {  	v60 =	vld [tilespmem:s13+$0x40]  }
0x4d: {  	v0 =	vadd.f32 v58, v0  }
0x4e: {  	v61 =	vld [tilespmem:s13+$0x50]  }
0x4f: {  	v0 =	vadd.f32 v59, v0  }
0x50: {  	v62 =	vld [tilespmem:s13+$0x60]  }
0x51: {  	v0 =	vadd.f32 v60, v0  }
0x52: {  	v63 =	vld [tilespmem:s13+$0x70]  }
0x53: {  	v0 =	vadd.f32 v61, v0;
	_ =	sdelay $0x1  }
0x54: {  	v0 =	vadd.f32 v62, v0;
	_ =	sdelay $0x1  }
0x55: {  	v0 =	vadd.f32 v63, v0;
	_ =	sdelay $0x1  }
0x56: {  	s11 =	sadd.s32 $0x1, s11;
	v0 =	vmul.f32 $6.250000000e-02, v0  }
0x57: {  	s12 =	sshra.s32 s12, $0x2;
	p0 =	sne.s32 s11, s6  }
.Ltmp1:
0x58: {  	[tilespmem:s12+$0x2200] =	vst v0;
	(pc) =	sbr.rel @p0 .LBB2_1-.Ltmp1, $4  }
0x59: {  	[hbm4b:s5+s2] =	stream.linear.scatter [tilespmem:s10], [sflag:$0x2], $0x200, $0x38;
	[tilespmem:$0x2400] =	vst v63  }
0x5a: {  	_ =	swait.ge [sflag:s7], $0x200  }
0x5b: {  	[sflag:s7] =	ssyncset.done $0x0  }
0x5c: {  	[sflag:s7] =	ssyncadd.s32 $0xFFFFFE00  }
0x5d: {  	_ =	sfence.sel $0x180000  }
0x5e: {  	[bflag:$0x0] =	sbarrier.arrive $0xFFFF  }
0x5f: {  	p0 =	sne.s32 s1, $0x0;
	_ =	strace $0x90000047  }
0x60: {  	s0 =	sadd.s32 @!p0 $0x100000, s0;
	[bflag:$0x2] =	sbarrier.arrive $0xFFFF  }
0x61: {  	[sflag:s0] =	ssyncadd.tile.s32 @!p0 $0x1;
	_ =	shalt  }
.Lfunc_end2:
_tile_overlayer_lowered:
.L_overlay_start_2:
0x62: {  	(tag) =	ssettag $0x2  }
0x63: {  	s0 =	rddreg [dreg:$0x0];
	s2 =	stileid.u32  }
0x64: {  	s1 =	rddreg [dreg:$0x1];
	p0 =	sne.s32 s2, $0x0  }
0x65: {  	s3 =	rddreg [dreg:$0x2];
	[bflag:$0x3] =	sbarrier.arrive $0xFFFF;
	s2 =	simm.s32 @!p0 $0x1C02  }
0x66: {  	[timem:s3], [sflag:s2] =	dma.local @!p0 [hbm:s0], s1  }
0x67: {  	s0 =	simm.s32 @!p0 $0x2  }
0x68: {  	_ =	swait.ge @!p0 [sflag:s0], s1  }
0x69: {  	s1 =	ssub.s32 @!p0 $0x0, s1;
	[sflag:s0] =	ssyncset.done @!p0 $0x0  }
0x6a: {  	[sflag:s0] =	ssyncadd.s32 @!p0 s1  }
0x6b: {  	[bflag:$0x3] =	sbarrier.arrive $0xFFFF  }
0x6c: {  	_ =	shalt  }

</sc_bundles>
